<compile_context>
chip_gen: v7x
topology: tpu7x:2x2x1
jax: 0.10.2.dev20260603
libtpu: 0.0.44.dev20260713+nightly
codegen_flags: <defaults>
</compile_context>

<pallas_src>
import functools

import jax
import jax.numpy as jnp
from jax import lax
from jax.experimental import pallas as pl
from jax.experimental.pallas import tpu as pltpu
from jax.experimental.pallas import tpu_sc as plsc

EPS = 0.05
N = 1_000_000
NC = 2
NS = 16
NW = NC * NS
L = 16

VREGS_W = 1953
CHUNK = VREGS_W * L
MAIN = NW * CHUNK
TAIL = N - MAIN
TAIL_VREGS = TAIL // L
NACC = 7
UNROLL = 21
STEPS = VREGS_W // UNROLL
NPART = 93
PSTEPS = STEPS // NPART
PVREGS = PSTEPS * UNROLL
BIG = 2**31 - 1

_mesh = plsc.VectorSubcoreMesh(core_axis_name="c", subcore_axis_name="s")


@functools.partial(
    pl.kernel,
    out_type=(
        jax.ShapeDtypeStruct((NC, L), jnp.float32),
        jax.ShapeDtypeStruct((NC, L), jnp.int32),
    ),
    mesh=_mesh,
    scratch_types=[
        pltpu.VMEM((CHUNK + TAIL,), jnp.float32),
        pltpu.VMEM((L,), jnp.float32),
        pltpu.VMEM((L,), jnp.int32),
        pltpu.VMEM_SHARED((NS * L,), jnp.float32),
        pltpu.VMEM_SHARED((NS * L,), jnp.int32),
        pltpu.VMEM((NS * L,), jnp.float32),
        pltpu.VMEM((NS * L,), jnp.int32),
        pltpu.SemaphoreType.DMA,
        pltpu.SemaphoreType.DMA,
    ],
)
def _sc_argmax_call(p_hbm, out_val, out_idx, buf, cand_v, cand_i,
                    sh_val, sh_idx, red_v, red_i, psem, tsem):
    c = lax.axis_index("c")
    s = lax.axis_index("s")
    wid = c * NS + s
    base = wid * CHUNK

    def issue(part, carry):
        off = part * (PVREGS * L)
        pltpu.async_copy(p_hbm.at[pl.ds(base + off, PVREGS * L)],
                         buf.at[pl.ds(off, PVREGS * L)], psem)
        return carry

    lax.fori_loop(0, NPART, issue, 0)
    pltpu.async_copy(p_hbm.at[pl.ds(MAIN, TAIL)],
                     buf.at[pl.ds(CHUNK, TAIL)], tsem)

    iota = lax.iota(jnp.int32, L)
    neg = jnp.full((L,), -jnp.inf, jnp.float32)
    vm0 = tuple(neg for _ in range(NACC))
    vi0 = tuple(iota + (base + k * L) for k in range(NACC))

    def part_body(part, carry):
        vm, vi = carry
        poff = part * (PVREGS * L)
        pltpu.make_async_copy(
            p_hbm.at[pl.ds(base, PVREGS * L)],
            buf.at[pl.ds(poff, PVREGS * L)], psem).wait()

        vcur = tuple(iota + (base + poff + k * L) for k in range(NACC))

        def body(i, inner):
            vm, vi, vc = [list(t) for t in inner]
            off0 = poff + i * (UNROLL * L)
            for st in range(UNROLL):
                k = st % NACC
                v = buf[pl.ds(off0 + st * L, L)]
                m = v > vm[k]
                vm[k] = jnp.where(m, v, vm[k])
                vi[k] = jnp.where(m, vc[k], vi[k])
                vc[k] = vc[k] + NACC * L
            return tuple(vm), tuple(vi), tuple(vc)

        vm, vi, _ = lax.fori_loop(0, PSTEPS, body, (vm, vi, vcur))
        return vm, vi

    vm, vi = lax.fori_loop(0, NPART, part_body, (vm0, vi0))
    vm, vi = list(vm), list(vi)

    pltpu.make_async_copy(p_hbm.at[pl.ds(MAIN, TAIL)],
                          buf.at[pl.ds(CHUNK, TAIL)], tsem).wait()
    for t in range(TAIL_VREGS):
        v = buf[pl.ds(CHUNK + t * L, L)]
        tv = iota + (MAIN + t * L)
        m = v > vm[0]
        vm[0] = jnp.where(m, v, vm[0])
        vi[0] = jnp.where(m, tv, vi[0])

    bm, bi = vm[0], vi[0]
    for k in range(1, NACC):
        better = (vm[k] > bm) | ((vm[k] == bm) & (vi[k] < bi))
        bm = jnp.where(better, vm[k], bm)
        bi = jnp.where(better, vi[k], bi)

    cand_v[...] = bm
    cand_i[...] = bi
    pltpu.sync_copy(cand_v, sh_val.at[pl.ds(s * L, L)])
    pltpu.sync_copy(cand_i, sh_idx.at[pl.ds(s * L, L)])
    plsc.subcore_barrier()

    @pl.when(s == 0)
    def _():
        pltpu.sync_copy(sh_val, red_v)
        pltpu.sync_copy(sh_idx, red_i)
        fm = red_v[pl.ds(0, L)]
        fi = red_i[pl.ds(0, L)]
        for r in range(1, NS):
            rv = red_v[pl.ds(r * L, L)]
            ri = red_i[pl.ds(r * L, L)]
            better = (rv > fm) | ((rv == fm) & (ri < fi))
            fm = jnp.where(better, rv, fm)
            fi = jnp.where(better, ri, fi)
        cand_v[...] = fm
        cand_i[...] = fi
        pltpu.sync_copy(cand_v, out_val.at[c])
        pltpu.sync_copy(cand_i, out_idx.at[c])


def _argmax_combiner(a, b):
    av, ai = a
    bv, bi = b
    better = (bv > av) | ((bv == av) & (bi < ai))
    return jnp.where(better, bv, av), jnp.where(better, bi, ai)


def _sc_argmax(x):
    vals, idxs = _sc_argmax_call(x)
    _, idx = lax.reduce(
        (vals, idxs),
        (jnp.float32(-jnp.inf), jnp.int32(BIG)),
        _argmax_combiner, (0, 1))
    return idx.astype(jnp.int32)


_U = 0.5302608013153076


def kernel(probabilities):
    if _U > EPS:
        return _sc_argmax(probabilities)
    k_sample = jax.random.split(jax.random.key(42))[1]
    g = jax.random.gumbel(k_sample, probabilities.shape, jnp.float32)
    return _sc_argmax(jnp.log(probabilities) + g)

# --- scband reference (transcript-rebuilt; emitter-appended) ---
"""Pipeline reference for scband-epsilon-greedy-sampler-26474178412891 (READ-ONLY COPY).

The authoritative reference and input builder live on the scoring server;
editing this copy changes nothing except your own understanding.
"""

import jax, jax.numpy as jnp
import numpy as np

EPSILON = 0.05

def setup_inputs(seed: int = 0) -> dict:
    key = jax.random.key(seed)
    probabilities = jax.random.uniform(key, (1000000,), dtype=jnp.float32)
    return {"probabilities": probabilities}

def reference(probabilities):
    # Faithful translation of EpsilonGreedySampler.forward:
    #   with prob (1 - epsilon): greedy argmax
    #   with prob epsilon:       sample from Categorical(probabilities)
    # np.random.random() is replaced by a fixed-key jax uniform draw so the
    # function is a pure jax computation.
    key = jax.random.key(42)
    k_branch, k_sample = jax.random.split(key)
    u = jax.random.uniform(k_branch, (), dtype=jnp.float32)
    greedy = jnp.argmax(probabilities, axis=-1)
    # torch.distributions.Categorical(probs) normalizes probs internally and
    # samples proportionally; jax.random.categorical takes logits = log(probs)
    # (normalization constant is irrelevant under softmax/Gumbel-max).
    logits = jnp.log(probabilities)
    sampled = jax.random.categorical(k_sample, logits, axis=-1)
    out = jnp.where(u > EPSILON, greedy, sampled)
    return out

if __name__ == "__main__":
    import jax
    _d = setup_inputs()
    print(jax.jit(kernel)(*tuple(_d.values())))

</pallas_src>

<mosaic_0001>
#map = affine_map<(d0, d1) -> (0)>
#map1 = affine_map<(d0, d1) -> (0, 0)>
module attributes {stable_mosaic.version = 14 : i64} {
  func.func @_sc_argmax_call(%arg0: i32, %arg1: i32, %arg2: memref<1000000xf32, #tpu.memory_space<hbm>>, %arg3: memref<2x16xf32, #tpu.memory_space<hbm>>, %arg4: memref<2x16xi32, #tpu.memory_space<hbm>>, %arg5: memref<31312xf32, #tpu.memory_space<vmem>>, %arg6: memref<16xf32, #tpu.memory_space<vmem>>, %arg7: memref<16xi32, #tpu.memory_space<vmem>>, %arg8: memref<256xf32, #tpu.memory_space<vmem_shared>>, %arg9: memref<256xi32, #tpu.memory_space<vmem_shared>>, %arg10: memref<256xf32, #tpu.memory_space<vmem>>, %arg11: memref<256xi32, #tpu.memory_space<vmem>>, %arg12: memref<!tpu.dma_semaphore, #tpu.memory_space<semaphore_mem>>, %arg13: memref<!tpu.dma_semaphore, #tpu.memory_space<semaphore_mem>>) attributes {dimension_semantics = [#tpu.dimension_semantics<core_parallel>, #tpu.dimension_semantics<subcore_parallel>], iteration_bounds = array<i64: 2, 16>, scalar_prefetch = 0 : i64, scratch_operands = 9 : i64, tpu.core_type = #tpu.core_type<sc_vector_subcore>, window_params = [{transform_indices = #map}, {transform_indices = #map1}, {transform_indices = #map1}]} {
    %mul3A = arith.constant 16 : i32
    %mul3A_0 = arith.muli %arg0, %mul3A : i32
    %add3A = arith.addi %mul3A_0, %arg1 : i32
    %mul3A_1 = arith.constant 31248 : i32
    %mul3A_2 = arith.muli %add3A, %mul3A_1 : i32
    %scan3A = arith.constant 0 : i32
    %scan3A_3 = arith.constant 0 : i32
    %scan3A_4 = arith.constant 93 : i32
    %scan3A_5 = arith.addi %scan3A_3, %scan3A_4 : i32
    %scan3A_6 = arith.constant 1 : i32
    scf.for %scan3A_142 = %scan3A_3 to %scan3A_5 step %scan3A_6  : i32 {
      %mul3A_143 = arith.constant 336 : i32
      %mul3A_144 = arith.muli %scan3A_142, %mul3A_143 : i32
      %add3A_145 = arith.addi %mul3A_2, %mul3A_144 : i32
      %dma_start3A_146 = tpu.memref_slice %arg5[%mul3A_144] : memref<31312xf32, #tpu.memory_space<vmem>> -> memref<336xf32, #tpu.memory_space<vmem>>
      %dma_start3A_147 = tpu.memref_slice %arg2[%add3A_145] : memref<1000000xf32, #tpu.memory_space<hbm>> -> memref<336xf32, #tpu.memory_space<hbm>>
      %dma_start3A_148 = tpu.memref_slice %arg5[%mul3A_144] : memref<31312xf32, #tpu.memory_space<vmem>> -> memref<336xf32, #tpu.memory_space<vmem>>
      %dma_start3A_149 = tpu.memref_slice %arg2[%add3A_145] : memref<1000000xf32, #tpu.memory_space<hbm>> -> memref<336xf32, #tpu.memory_space<hbm>>
      tpu.enqueue_dma source(%dma_start3A_149 : memref<336xf32, #tpu.memory_space<hbm>>) target(%dma_start3A_148 : memref<336xf32, #tpu.memory_space<vmem>>) target_semaphore(%arg12 : memref<!tpu.dma_semaphore, #tpu.memory_space<semaphore_mem>>)
    }
    %scan3A_7 = arith.constant 93 : i32
    %dma_start3A = arith.constant 31248 : i32
    %dma_start3A_8 = tpu.memref_slice %arg5[%dma_start3A] : memref<31312xf32, #tpu.memory_space<vmem>> -> memref<64xf32, #tpu.memory_space<vmem>>
    %dma_start3A_9 = arith.constant 999936 : i32
    %dma_start3A_10 = tpu.memref_slice %arg2[%dma_start3A_9] : memref<1000000xf32, #tpu.memory_space<hbm>> -> memref<64xf32, #tpu.memory_space<hbm>>
    %dma_start3A_11 = arith.constant 31248 : i32
    %dma_start3A_12 = tpu.memref_slice %arg5[%dma_start3A_11] : memref<31312xf32, #tpu.memory_space<vmem>> -> memref<64xf32, #tpu.memory_space<vmem>>
    %dma_start3A_13 = arith.constant 999936 : i32
    %dma_start3A_14 = tpu.memref_slice %arg2[%dma_start3A_13] : memref<1000000xf32, #tpu.memory_space<hbm>> -> memref<64xf32, #tpu.memory_space<hbm>>
    tpu.enqueue_dma source(%dma_start3A_14 : memref<64xf32, #tpu.memory_space<hbm>>) target(%dma_start3A_12 : memref<64xf32, #tpu.memory_space<vmem>>) target_semaphore(%arg13 : memref<!tpu.dma_semaphore, #tpu.memory_space<semaphore_mem>>)
    %iota3A = tpu.iota {dimensions = array<i32: 0>} : vector<16xi32>
    %broadcast_in_dim3A = arith.constant 0xFF800000 : f32
    %broadcast_in_dim3A_15 = vector.broadcast %broadcast_in_dim3A : f32 to vector<16xf32>
    %add3A_16 = arith.constant 0 : i32
    %add3A_17 = arith.addi %mul3A_2, %add3A_16 : i32
    %add3A_18 = vector.broadcast %add3A_17 : i32 to vector<16xi32>
    %add3A_19 = arith.addi %iota3A, %add3A_18 : vector<16xi32>
    %add3A_20 = arith.constant 16 : i32
    %add3A_21 = arith.addi %mul3A_2, %add3A_20 : i32
    %add3A_22 = vector.broadcast %add3A_21 : i32 to vector<16xi32>
    %add3A_23 = arith.addi %iota3A, %add3A_22 : vector<16xi32>
    %add3A_24 = arith.constant 32 : i32
    %add3A_25 = arith.addi %mul3A_2, %add3A_24 : i32
    %add3A_26 = vector.broadcast %add3A_25 : i32 to vector<16xi32>
    %add3A_27 = arith.addi %iota3A, %add3A_26 : vector<16xi32>
    %add3A_28 = arith.constant 48 : i32
    %add3A_29 = arith.addi %mul3A_2, %add3A_28 : i32
    %add3A_30 = vector.broadcast %add3A_29 : i32 to vector<16xi32>
    %add3A_31 = arith.addi %iota3A, %add3A_30 : vector<16xi32>
    %add3A_32 = arith.constant 64 : i32
    %add3A_33 = arith.addi %mul3A_2, %add3A_32 : i32
    %add3A_34 = vector.broadcast %add3A_33 : i32 to vector<16xi32>
    %add3A_35 = arith.addi %iota3A, %add3A_34 : vector<16xi32>
    %add3A_36 = arith.constant 80 : i32
    %add3A_37 = arith.addi %mul3A_2, %add3A_36 : i32
    %add3A_38 = vector.broadcast %add3A_37 : i32 to vector<16xi32>
    %add3A_39 = arith.addi %iota3A, %add3A_38 : vector<16xi32>
    %add3A_40 = arith.constant 96 : i32
    %add3A_41 = arith.addi %mul3A_2, %add3A_40 : i32
    %add3A_42 = vector.broadcast %add3A_41 : i32 to vector<16xi32>
    %add3A_43 = arith.addi %iota3A, %add3A_42 : vector<16xi32>
    %scan3A_44 = arith.constant 0 : i32
    %scan3A_45 = arith.constant 93 : i32
    %scan3A_46 = arith.addi %scan3A_44, %scan3A_45 : i32
    %scan3A_47 = arith.constant 1 : i32
    %scan3A_48:14 = scf.for %scan3A_142 = %scan3A_44 to %scan3A_46 step %scan3A_47 iter_args(%scan3A_143 = %broadcast_in_dim3A_15, %scan3A_144 = %broadcast_in_dim3A_15, %scan3A_145 = %broadcast_in_dim3A_15, %scan3A_146 = %broadcast_in_dim3A_15, %scan3A_147 = %broadcast_in_dim3A_15, %scan3A_148 = %broadcast_in_dim3A_15, %scan3A_149 = %broadcast_in_dim3A_15, %scan3A_150 = %add3A_19, %scan3A_151 = %add3A_23, %scan3A_152 = %add3A_27, %scan3A_153 = %add3A_31, %scan3A_154 = %add3A_35, %scan3A_155 = %add3A_39, %scan3A_156 = %add3A_43) -> (vector<16xf32>, vector<16xf32>, vector<16xf32>, vector<16xf32>, vector<16xf32>, vector<16xf32>, vector<16xf32>, vector<16xi32>, vector<16xi32>, vector<16xi32>, vector<16xi32>, vector<16xi32>, vector<16xi32>, vector<16xi32>)  : i32 {
      %mul3A_157 = arith.constant 336 : i32
      %mul3A_158 = arith.muli %scan3A_142, %mul3A_157 : i32
      %dma_wait3A_159 = tpu.memref_slice %arg5[%mul3A_158] : memref<31312xf32, #tpu.memory_space<vmem>> -> memref<336xf32, #tpu.memory_space<vmem>>
      %dma_wait3A_160 = tpu.memref_slice %arg2[%mul3A_2] : memref<1000000xf32, #tpu.memory_space<hbm>> -> memref<336xf32, #tpu.memory_space<hbm>>
      %dma_wait3A_161 = tpu.memref_slice %arg5[%mul3A_158] : memref<31312xf32, #tpu.memory_space<vmem>> -> memref<336xf32, #tpu.memory_space<vmem>>
      %dma_wait3A_162 = tpu.memref_slice %arg2[%mul3A_2] : memref<1000000xf32, #tpu.memory_space<hbm>> -> memref<336xf32, #tpu.memory_space<hbm>>
      tpu.wait_dma2 semaphore(%arg12 : memref<!tpu.dma_semaphore, #tpu.memory_space<semaphore_mem>>) src(%dma_wait3A_162 : memref<336xf32, #tpu.memory_space<hbm>>) dst(%dma_wait3A_161 : memref<336xf32, #tpu.memory_space<vmem>>)
      %add3A_163 = arith.addi %mul3A_2, %mul3A_158 : i32
      %add3A_164 = arith.constant 0 : i32
      %add3A_165 = arith.addi %add3A_163, %add3A_164 : i32
      %add3A_166 = vector.broadcast %add3A_165 : i32 to vector<16xi32>
      %add3A_167 = arith.addi %iota3A, %add3A_166 : vector<16xi32>
      %add3A_168 = arith.addi %mul3A_2, %mul3A_158 : i32
      %add3A_169 = arith.constant 16 : i32
      %add3A_170 = arith.addi %add3A_168, %add3A_169 : i32
      %add3A_171 = vector.broadcast %add3A_170 : i32 to vector<16xi32>
      %add3A_172 = arith.addi %iota3A, %add3A_171 : vector<16xi32>
      %add3A_173 = arith.addi %mul3A_2, %mul3A_158 : i32
      %add3A_174 = arith.constant 32 : i32
      %add3A_175 = arith.addi %add3A_173, %add3A_174 : i32
      %add3A_176 = vector.broadcast %add3A_175 : i32 to vector<16xi32>
      %add3A_177 = arith.addi %iota3A, %add3A_176 : vector<16xi32>
      %add3A_178 = arith.addi %mul3A_2, %mul3A_158 : i32
      %add3A_179 = arith.constant 48 : i32
      %add3A_180 = arith.addi %add3A_178, %add3A_179 : i32
      %add3A_181 = vector.broadcast %add3A_180 : i32 to vector<16xi32>
      %add3A_182 = arith.addi %iota3A, %add3A_181 : vector<16xi32>
      %add3A_183 = arith.addi %mul3A_2, %mul3A_158 : i32
      %add3A_184 = arith.constant 64 : i32
      %add3A_185 = arith.addi %add3A_183, %add3A_184 : i32
      %add3A_186 = vector.broadcast %add3A_185 : i32 to vector<16xi32>
      %add3A_187 = arith.addi %iota3A, %add3A_186 : vector<16xi32>
      %add3A_188 = arith.addi %mul3A_2, %mul3A_158 : i32
      %add3A_189 = arith.constant 80 : i32
      %add3A_190 = arith.addi %add3A_188, %add3A_189 : i32
      %add3A_191 = vector.broadcast %add3A_190 : i32 to vector<16xi32>
      %add3A_192 = arith.addi %iota3A, %add3A_191 : vector<16xi32>
      %add3A_193 = arith.addi %mul3A_2, %mul3A_158 : i32
      %add3A_194 = arith.constant 96 : i32
      %add3A_195 = arith.addi %add3A_193, %add3A_194 : i32
      %add3A_196 = vector.broadcast %add3A_195 : i32 to vector<16xi32>
      %add3A_197 = arith.addi %iota3A, %add3A_196 : vector<16xi32>
      %scan3A_198 = arith.constant 0 : i32
      %mul3A_199 = arith.constant 336 : i32
      %mul3A_200 = arith.muli %scan3A_198, %mul3A_199 : i32
      %add3A_201 = arith.addi %mul3A_158, %mul3A_200 : i32
      %add3A_202 = arith.constant 0 : i32
      %add3A_203 = arith.addi %add3A_201, %add3A_202 : i32
      %get3A_204 = arith.index_cast %add3A_203 : i32 to index
      %get3A_205 = tpu.vector_load %arg5[%get3A_204] {strides = array<i32>} : memref<31312xf32, #tpu.memory_space<vmem>>, vector<16xf32>,
      %get3A_206 = vector.shape_cast %get3A_205 : vector<16xf32> to vector<16xf32>
      %gt3A_207 = arith.cmpf ogt, %get3A_206, %scan3A_143 : vector<16xf32>
      %select_n3A_208 = arith.select %gt3A_207, %get3A_206, %scan3A_143 : vector<16xi1>, vector<16xf32>
      %select_n3A_209 = arith.select %gt3A_207, %add3A_167, %scan3A_150 : vector<16xi1>, vector<16xi32>
      %add3A_210 = arith.constant 112 : i32
      %add3A_211 = vector.broadcast %add3A_210 : i32 to vector<16xi32>
      %add3A_212 = arith.addi %add3A_167, %add3A_211 : vector<16xi32>
      %add3A_213 = arith.constant 16 : i32
      %add3A_214 = arith.addi %add3A_201, %add3A_213 : i32
      %get3A_215 = arith.index_cast %add3A_214 : i32 to index
      %get3A_216 = tpu.vector_load %arg5[%get3A_215] {strides = array<i32>} : memref<31312xf32, #tpu.memory_space<vmem>>, vector<16xf32>,
      %get3A_217 = vector.shape_cast %get3A_216 : vector<16xf32> to vector<16xf32>
      %gt3A_218 = arith.cmpf ogt, %get3A_217, %scan3A_144 : vector<16xf32>
      %select_n3A_219 = arith.select %gt3A_218, %get3A_217, %scan3A_144 : vector<16xi1>, vector<16xf32>
      %select_n3A_220 = arith.select %gt3A_218, %add3A_172, %scan3A_151 : vector<16xi1>, vector<16xi32>
      %add3A_221 = arith.constant 112 : i32
      %add3A_222 = vector.broadcast %add3A_221 : i32 to vector<16xi32>
      %add3A_223 = arith.addi %add3A_172, %add3A_222 : vector<16xi32>
      %add3A_224 = arith.constant 32 : i32
      %add3A_225 = arith.addi %add3A_201, %add3A_224 : i32
      %get3A_226 = arith.index_cast %add3A_225 : i32 to index
      %get3A_227 = tpu.vector_load %arg5[%get3A_226] {strides = array<i32>} : memref<31312xf32, #tpu.memory_space<vmem>>, vector<16xf32>,
      %get3A_228 = vector.shape_cast %get3A_227 : vector<16xf32> to vector<16xf32>
      %gt3A_229 = arith.cmpf ogt, %get3A_228, %scan3A_145 : vector<16xf32>
      %select_n3A_230 = arith.select %gt3A_229, %get3A_228, %scan3A_145 : vector<16xi1>, vector<16xf32>
      %select_n3A_231 = arith.select %gt3A_229, %add3A_177, %scan3A_152 : vector<16xi1>, vector<16xi32>
      %add3A_232 = arith.constant 112 : i32
      %add3A_233 = vector.broadcast %add3A_232 : i32 to vector<16xi32>
      %add3A_234 = arith.addi %add3A_177, %add3A_233 : vector<16xi32>
      %add3A_235 = arith.constant 48 : i32
      %add3A_236 = arith.addi %add3A_201, %add3A_235 : i32
      %get3A_237 = arith.index_cast %add3A_236 : i32 to index
      %get3A_238 = tpu.vector_load %arg5[%get3A_237] {strides = array<i32>} : memref<31312xf32, #tpu.memory_space<vmem>>, vector<16xf32>,
      %get3A_239 = vector.shape_cast %get3A_238 : vector<16xf32> to vector<16xf32>
      %gt3A_240 = arith.cmpf ogt, %get3A_239, %scan3A_146 : vector<16xf32>
      %select_n3A_241 = arith.select %gt3A_240, %get3A_239, %scan3A_146 : vector<16xi1>, vector<16xf32>
      %select_n3A_242 = arith.select %gt3A_240, %add3A_182, %scan3A_153 : vector<16xi1>, vector<16xi32>
      %add3A_243 = arith.constant 112 : i32
      %add3A_244 = vector.broadcast %add3A_243 : i32 to vector<16xi32>
      %add3A_245 = arith.addi %add3A_182, %add3A_244 : vector<16xi32>
      %add3A_246 = arith.constant 64 : i32
      %add3A_247 = arith.addi %add3A_201, %add3A_246 : i32
      %get3A_248 = arith.index_cast %add3A_247 : i32 to index
      %get3A_249 = tpu.vector_load %arg5[%get3A_248] {strides = array<i32>} : memref<31312xf32, #tpu.memory_space<vmem>>, vector<16xf32>,
      %get3A_250 = vector.shape_cast %get3A_249 : vector<16xf32> to vector<16xf32>
      %gt3A_251 = arith.cmpf ogt, %get3A_250, %scan3A_147 : vector<16xf32>
      %select_n3A_252 = arith.select %gt3A_251, %get3A_250, %scan3A_147 : vector<16xi1>, vector<16xf32>
      %select_n3A_253 = arith.select %gt3A_251, %add3A_187, %scan3A_154 : vector<16xi1>, vector<16xi32>
      %add3A_254 = arith.constant 112 : i32
      %add3A_255 = vector.broadcast %add3A_254 : i32 to vector<16xi32>
      %add3A_256 = arith.addi %add3A_187, %add3A_255 : vector<16xi32>
      %add3A_257 = arith.constant 80 : i32
      %add3A_258 = arith.addi %add3A_201, %add3A_257 : i32
      %get3A_259 = arith.index_cast %add3A_258 : i32 to index
      %get3A_260 = tpu.vector_load %arg5[%get3A_259] {strides = array<i32>} : memref<31312xf32, #tpu.memory_space<vmem>>, vector<16xf32>,
      %get3A_261 = vector.shape_cast %get3A_260 : vector<16xf32> to vector<16xf32>
      %gt3A_262 = arith.cmpf ogt, %get3A_261, %scan3A_148 : vector<16xf32>
      %select_n3A_263 = arith.select %gt3A_262, %get3A_261, %scan3A_148 : vector<16xi1>, vector<16xf32>
      %select_n3A_264 = arith.select %gt3A_262, %add3A_192, %scan3A_155 : vector<16xi1>, vector<16xi32>
      %add3A_265 = arith.constant 112 : i32
      %add3A_266 = vector.broadcast %add3A_265 : i32 to vector<16xi32>
      %add3A_267 = arith.addi %add3A_192, %add3A_266 : vector<16xi32>
      %add3A_268 = arith.constant 96 : i32
      %add3A_269 = arith.addi %add3A_201, %add3A_268 : i32
      %get3A_270 = arith.index_cast %add3A_269 : i32 to index
      %get3A_271 = tpu.vector_load %arg5[%get3A_270] {strides = array<i32>} : memref<31312xf32, #tpu.memory_space<vmem>>, vector<16xf32>,
      %get3A_272 = vector.shape_cast %get3A_271 : vector<16xf32> to vector<16xf32>
      %gt3A_273 = arith.cmpf ogt, %get3A_272, %scan3A_149 : vector<16xf32>
      %select_n3A_274 = arith.select %gt3A_273, %get3A_272, %scan3A_149 : vector<16xi1>, vector<16xf32>
      %select_n3A_275 = arith.select %gt3A_273, %add3A_197, %scan3A_156 : vector<16xi1>, vector<16xi32>
      %add3A_276 = arith.constant 112 : i32
      %add3A_277 = vector.broadcast %add3A_276 : i32 to vector<16xi32>
      %add3A_278 = arith.addi %add3A_197, %add3A_277 : vector<16xi32>
      %add3A_279 = arith.constant 112 : i32
      %add3A_280 = arith.addi %add3A_201, %add3A_279 : i32
      %get3A_281 = arith.index_cast %add3A_280 : i32 to index
      %get3A_282 = tpu.vector_load %arg5[%get3A_281] {strides = array<i32>} : memref<31312xf32, #tpu.memory_space<vmem>>, vector<16xf32>,
      %get3A_283 = vector.shape_cast %get3A_282 : vector<16xf32> to vector<16xf32>
      %gt3A_284 = arith.cmpf ogt, %get3A_283, %select_n3A_208 : vector<16xf32>
      %select_n3A_285 = arith.select %gt3A_284, %get3A_283, %select_n3A_208 : vector<16xi1>, vector<16xf32>
      %select_n3A_286 = arith.select %gt3A_284, %add3A_212, %select_n3A_209 : vector<16xi1>, vector<16xi32>
      %add3A_287 = arith.constant 112 : i32
      %add3A_288 = vector.broadcast %add3A_287 : i32 to vector<16xi32>
      %add3A_289 = arith.addi %add3A_212, %add3A_288 : vector<16xi32>
      %add3A_290 = arith.constant 128 : i32
      %add3A_291 = arith.addi %add3A_201, %add3A_290 : i32
      %get3A_292 = arith.index_cast %add3A_291 : i32 to index
      %get3A_293 = tpu.vector_load %arg5[%get3A_292] {strides = array<i32>} : memref<31312xf32, #tpu.memory_space<vmem>>, vector<16xf32>,
      %get3A_294 = vector.shape_cast %get3A_293 : vector<16xf32> to vector<16xf32>
      %gt3A_295 = arith.cmpf ogt, %get3A_294, %select_n3A_219 : vector<16xf32>
      %select_n3A_296 = arith.select %gt3A_295, %get3A_294, %select_n3A_219 : vector<16xi1>, vector<16xf32>
      %select_n3A_297 = arith.select %gt3A_295, %add3A_223, %select_n3A_220 : vector<16xi1>, vector<16xi32>
      %add3A_298 = arith.constant 112 : i32
      %add3A_299 = vector.broadcast %add3A_298 : i32 to vector<16xi32>
      %add3A_300 = arith.addi %add3A_223, %add3A_299 : vector<16xi32>
      %add3A_301 = arith.constant 144 : i32
      %add3A_302 = arith.addi %add3A_201, %add3A_301 : i32
      %get3A_303 = arith.index_cast %add3A_302 : i32 to index
      %get3A_304 = tpu.vector_load %arg5[%get3A_303] {strides = array<i32>} : memref<31312xf32, #tpu.memory_space<vmem>>, vector<16xf32>,
      %get3A_305 = vector.shape_cast %get3A_304 : vector<16xf32> to vector<16xf32>
      %gt3A_306 = arith.cmpf ogt, %get3A_305, %select_n3A_230 : vector<16xf32>
      %select_n3A_307 = arith.select %gt3A_306, %get3A_305, %select_n3A_230 : vector<16xi1>, vector<16xf32>
      %select_n3A_308 = arith.select %gt3A_306, %add3A_234, %select_n3A_231 : vector<16xi1>, vector<16xi32>
      %add3A_309 = arith.constant 112 : i32
      %add3A_310 = vector.broadcast %add3A_309 : i32 to vector<16xi32>
      %add3A_311 = arith.addi %add3A_234, %add3A_310 : vector<16xi32>
      %add3A_312 = arith.constant 160 : i32
      %add3A_313 = arith.addi %add3A_201, %add3A_312 : i32
      %get3A_314 = arith.index_cast %add3A_313 : i32 to index
      %get3A_315 = tpu.vector_load %arg5[%get3A_314] {strides = array<i32>} : memref<31312xf32, #tpu.memory_space<vmem>>, vector<16xf32>,
      %get3A_316 = vector.shape_cast %get3A_315 : vector<16xf32> to vector<16xf32>
      %gt3A_317 = arith.cmpf ogt, %get3A_316, %select_n3A_241 : vector<16xf32>
      %select_n3A_318 = arith.select %gt3A_317, %get3A_316, %select_n3A_241 : vector<16xi1>, vector<16xf32>
      %select_n3A_319 = arith.select %gt3A_317, %add3A_245, %select_n3A_242 : vector<16xi1>, vector<16xi32>
      %add3A_320 = arith.constant 112 : i32
      %add3A_321 = vector.broadcast %add3A_320 : i32 to vector<16xi32>
      %add3A_322 = arith.addi %add3A_245, %add3A_321 : vector<16xi32>
      %add3A_323 = arith.constant 176 : i32
      %add3A_324 = arith.addi %add3A_201, %add3A_323 : i32
      %get3A_325 = arith.index_cast %add3A_324 : i32 to index
      %get3A_326 = tpu.vector_load %arg5[%get3A_325] {strides = array<i32>} : memref<31312xf32, #tpu.memory_space<vmem>>, vector<16xf32>,
      %get3A_327 = vector.shape_cast %get3A_326 : vector<16xf32> to vector<16xf32>
      %gt3A_328 = arith.cmpf ogt, %get3A_327, %select_n3A_252 : vector<16xf32>
      %select_n3A_329 = arith.select %gt3A_328, %get3A_327, %select_n3A_252 : vector<16xi1>, vector<16xf32>
      %select_n3A_330 = arith.select %gt3A_328, %add3A_256, %select_n3A_253 : vector<16xi1>, vector<16xi32>
      %add3A_331 = arith.constant 112 : i32
      %add3A_332 = vector.broadcast %add3A_331 : i32 to vector<16xi32>
      %add3A_333 = arith.addi %add3A_256, %add3A_332 : vector<16xi32>
      %add3A_334 = arith.constant 192 : i32
      %add3A_335 = arith.addi %add3A_201, %add3A_334 : i32
      %get3A_336 = arith.index_cast %add3A_335 : i32 to index
      %get3A_337 = tpu.vector_load %arg5[%get3A_336] {strides = array<i32>} : memref<31312xf32, #tpu.memory_space<vmem>>, vector<16xf32>,
      %get3A_338 = vector.shape_cast %get3A_337 : vector<16xf32> to vector<16xf32>
      %gt3A_339 = arith.cmpf ogt, %get3A_338, %select_n3A_263 : vector<16xf32>
      %select_n3A_340 = arith.select %gt3A_339, %get3A_338, %select_n3A_263 : vector<16xi1>, vector<16xf32>
      %select_n3A_341 = arith.select %gt3A_339, %add3A_267, %select_n3A_264 : vector<16xi1>, vector<16xi32>
      %add3A_342 = arith.constant 112 : i32
      %add3A_343 = vector.broadcast %add3A_342 : i32 to vector<16xi32>
      %add3A_344 = arith.addi %add3A_267, %add3A_343 : vector<16xi32>
      %add3A_345 = arith.constant 208 : i32
      %add3A_346 = arith.addi %add3A_201, %add3A_345 : i32
      %get3A_347 = arith.index_cast %add3A_346 : i32 to index
      %get3A_348 = tpu.vector_load %arg5[%get3A_347] {strides = array<i32>} : memref<31312xf32, #tpu.memory_space<vmem>>, vector<16xf32>,
      %get3A_349 = vector.shape_cast %get3A_348 : vector<16xf32> to vector<16xf32>
      %gt3A_350 = arith.cmpf ogt, %get3A_349, %select_n3A_274 : vector<16xf32>
      %select_n3A_351 = arith.select %gt3A_350, %get3A_349, %select_n3A_274 : vector<16xi1>, vector<16xf32>
      %select_n3A_352 = arith.select %gt3A_350, %add3A_278, %select_n3A_275 : vector<16xi1>, vector<16xi32>
      %add3A_353 = arith.constant 112 : i32
      %add3A_354 = vector.broadcast %add3A_353 : i32 to vector<16xi32>
      %add3A_355 = arith.addi %add3A_278, %add3A_354 : vector<16xi32>
      %add3A_356 = arith.constant 224 : i32
      %add3A_357 = arith.addi %add3A_201, %add3A_356 : i32
      %get3A_358 = arith.index_cast %add3A_357 : i32 to index
      %get3A_359 = tpu.vector_load %arg5[%get3A_358] {strides = array<i32>} : memref<31312xf32, #tpu.memory_space<vmem>>, vector<16xf32>,
      %get3A_360 = vector.shape_cast %get3A_359 : vector<16xf32> to vector<16xf32>
      %gt3A_361 = arith.cmpf ogt, %get3A_360, %select_n3A_285 : vector<16xf32>
      %select_n3A_362 = arith.select %gt3A_361, %get3A_360, %select_n3A_285 : vector<16xi1>, vector<16xf32>
      %select_n3A_363 = arith.select %gt3A_361, %add3A_289, %select_n3A_286 : vector<16xi1>, vector<16xi32>
      %add3A_364 = arith.constant 112 : i32
      %add3A_365 = vector.broadcast %add3A_364 : i32 to vector<16xi32>
      %add3A_366 = arith.addi %add3A_289, %add3A_365 : vector<16xi32>
      %add3A_367 = arith.constant 240 : i32
      %add3A_368 = arith.addi %add3A_201, %add3A_367 : i32
      %get3A_369 = arith.index_cast %add3A_368 : i32 to index
      %get3A_370 = tpu.vector_load %arg5[%get3A_369] {strides = array<i32>} : memref<31312xf32, #tpu.memory_space<vmem>>, vector<16xf32>,
      %get3A_371 = vector.shape_cast %get3A_370 : vector<16xf32> to vector<16xf32>
      %gt3A_372 = arith.cmpf ogt, %get3A_371, %select_n3A_296 : vector<16xf32>
      %select_n3A_373 = arith.select %gt3A_372, %get3A_371, %select_n3A_296 : vector<16xi1>, vector<16xf32>
      %select_n3A_374 = arith.select %gt3A_372, %add3A_300, %select_n3A_297 : vector<16xi1>, vector<16xi32>
      %add3A_375 = arith.constant 112 : i32
      %add3A_376 = vector.broadcast %add3A_375 : i32 to vector<16xi32>
      %add3A_377 = arith.addi %add3A_300, %add3A_376 : vector<16xi32>
      %add3A_378 = arith.constant 256 : i32
      %add3A_379 = arith.addi %add3A_201, %add3A_378 : i32
      %get3A_380 = arith.index_cast %add3A_379 : i32 to index
      %get3A_381 = tpu.vector_load %arg5[%get3A_380] {strides = array<i32>} : memref<31312xf32, #tpu.memory_space<vmem>>, vector<16xf32>,
      %get3A_382 = vector.shape_cast %get3A_381 : vector<16xf32> to vector<16xf32>
      %gt3A_383 = arith.cmpf ogt, %get3A_382, %select_n3A_307 : vector<16xf32>
      %select_n3A_384 = arith.select %gt3A_383, %get3A_382, %select_n3A_307 : vector<16xi1>, vector<16xf32>
      %select_n3A_385 = arith.select %gt3A_383, %add3A_311, %select_n3A_308 : vector<16xi1>, vector<16xi32>
      %add3A_386 = arith.constant 112 : i32
      %add3A_387 = vector.broadcast %add3A_386 : i32 to vector<16xi32>
      %add3A_388 = arith.addi %add3A_311, %add3A_387 : vector<16xi32>
      %add3A_389 = arith.constant 272 : i32
      %add3A_390 = arith.addi %add3A_201, %add3A_389 : i32
      %get3A_391 = arith.index_cast %add3A_390 : i32 to index
      %get3A_392 = tpu.vector_load %arg5[%get3A_391] {strides = array<i32>} : memref<31312xf32, #tpu.memory_space<vmem>>, vector<16xf32>,
      %get3A_393 = vector.shape_cast %get3A_392 : vector<16xf32> to vector<16xf32>
      %gt3A_394 = arith.cmpf ogt, %get3A_393, %select_n3A_318 : vector<16xf32>
      %select_n3A_395 = arith.select %gt3A_394, %get3A_393, %select_n3A_318 : vector<16xi1>, vector<16xf32>
      %select_n3A_396 = arith.select %gt3A_394, %add3A_322, %select_n3A_319 : vector<16xi1>, vector<16xi32>
      %add3A_397 = arith.constant 112 : i32
      %add3A_398 = vector.broadcast %add3A_397 : i32 to vector<16xi32>
      %add3A_399 = arith.addi %add3A_322, %add3A_398 : vector<16xi32>
      %add3A_400 = arith.constant 288 : i32
      %add3A_401 = arith.addi %add3A_201, %add3A_400 : i32
      %get3A_402 = arith.index_cast %add3A_401 : i32 to index
      %get3A_403 = tpu.vector_load %arg5[%get3A_402] {strides = array<i32>} : memref<31312xf32, #tpu.memory_space<vmem>>, vector<16xf32>,
      %get3A_404 = vector.shape_cast %get3A_403 : vector<16xf32> to vector<16xf32>
      %gt3A_405 = arith.cmpf ogt, %get3A_404, %select_n3A_329 : vector<16xf32>
      %select_n3A_406 = arith.select %gt3A_405, %get3A_404, %select_n3A_329 : vector<16xi1>, vector<16xf32>
      %select_n3A_407 = arith.select %gt3A_405, %add3A_333, %select_n3A_330 : vector<16xi1>, vector<16xi32>
      %add3A_408 = arith.constant 112 : i32
      %add3A_409 = vector.broadcast %add3A_408 : i32 to vector<16xi32>
      %add3A_410 = arith.addi %add3A_333, %add3A_409 : vector<16xi32>
      %add3A_411 = arith.constant 304 : i32
      %add3A_412 = arith.addi %add3A_201, %add3A_411 : i32
      %get3A_413 = arith.index_cast %add3A_412 : i32 to index
      %get3A_414 = tpu.vector_load %arg5[%get3A_413] {strides = array<i32>} : memref<31312xf32, #tpu.memory_space<vmem>>, vector<16xf32>,
      %get3A_415 = vector.shape_cast %get3A_414 : vector<16xf32> to vector<16xf32>
      %gt3A_416 = arith.cmpf ogt, %get3A_415, %select_n3A_340 : vector<16xf32>
      %select_n3A_417 = arith.select %gt3A_416, %get3A_415, %select_n3A_340 : vector<16xi1>, vector<16xf32>
      %select_n3A_418 = arith.select %gt3A_416, %add3A_344, %select_n3A_341 : vector<16xi1>, vector<16xi32>
      %add3A_419 = arith.constant 112 : i32
      %add3A_420 = vector.broadcast %add3A_419 : i32 to vector<16xi32>
      %add3A_421 = arith.addi %add3A_344, %add3A_420 : vector<16xi32>
      %add3A_422 = arith.constant 320 : i32
      %add3A_423 = arith.addi %add3A_201, %add3A_422 : i32
      %get3A_424 = arith.index_cast %add3A_423 : i32 to index
      %get3A_425 = tpu.vector_load %arg5[%get3A_424] {strides = array<i32>} : memref<31312xf32, #tpu.memory_space<vmem>>, vector<16xf32>,
      %get3A_426 = vector.shape_cast %get3A_425 : vector<16xf32> to vector<16xf32>
      %gt3A_427 = arith.cmpf ogt, %get3A_426, %select_n3A_351 : vector<16xf32>
      %select_n3A_428 = arith.select %gt3A_427, %get3A_426, %select_n3A_351 : vector<16xi1>, vector<16xf32>
      %select_n3A_429 = arith.select %gt3A_427, %add3A_355, %select_n3A_352 : vector<16xi1>, vector<16xi32>
      %add3A_430 = arith.constant 112 : i32
      %add3A_431 = vector.broadcast %add3A_430 : i32 to vector<16xi32>
      %add3A_432 = arith.addi %add3A_355, %add3A_431 : vector<16xi32>
      %scan3A_433 = arith.constant 1 : i32
      scf.yield %select_n3A_362, %select_n3A_373, %select_n3A_384, %select_n3A_395, %select_n3A_406, %select_n3A_417, %select_n3A_428, %select_n3A_363, %select_n3A_374, %select_n3A_385, %select_n3A_396, %select_n3A_407, %select_n3A_418, %select_n3A_429 : vector<16xf32>, vector<16xf32>, vector<16xf32>, vector<16xf32>, vector<16xf32>, vector<16xf32>, vector<16xf32>, vector<16xi32>, vector<16xi32>, vector<16xi32>, vector<16xi32>, vector<16xi32>, vector<16xi32>, vector<16xi32>
    }
    %scan3A_49 = arith.constant 93 : i32
    %dma_wait3A = arith.constant 31248 : i32
    %dma_wait3A_50 = tpu.memref_slice %arg5[%dma_wait3A] : memref<31312xf32, #tpu.memory_space<vmem>> -> memref<64xf32, #tpu.memory_space<vmem>>
    %dma_wait3A_51 = arith.constant 999936 : i32
    %dma_wait3A_52 = tpu.memref_slice %arg2[%dma_wait3A_51] : memref<1000000xf32, #tpu.memory_space<hbm>> -> memref<64xf32, #tpu.memory_space<hbm>>
    %dma_wait3A_53 = arith.constant 31248 : i32
    %dma_wait3A_54 = tpu.memref_slice %arg5[%dma_wait3A_53] : memref<31312xf32, #tpu.memory_space<vmem>> -> memref<64xf32, #tpu.memory_space<vmem>>
    %dma_wait3A_55 = arith.constant 999936 : i32
    %dma_wait3A_56 = tpu.memref_slice %arg2[%dma_wait3A_55] : memref<1000000xf32, #tpu.memory_space<hbm>> -> memref<64xf32, #tpu.memory_space<hbm>>
    tpu.wait_dma2 semaphore(%arg13 : memref<!tpu.dma_semaphore, #tpu.memory_space<semaphore_mem>>) src(%dma_wait3A_56 : memref<64xf32, #tpu.memory_space<hbm>>) dst(%dma_wait3A_54 : memref<64xf32, #tpu.memory_space<vmem>>)
    %get3A = arith.constant 31248 : index
    %get3A_57 = tpu.vector_load %arg5[%get3A] {strides = array<i32>} : memref<31312xf32, #tpu.memory_space<vmem>>, vector<16xf32>,
    %get3A_58 = vector.shape_cast %get3A_57 : vector<16xf32> to vector<16xf32>
    %add3A_59 = arith.constant 999936 : i32
    %add3A_60 = vector.broadcast %add3A_59 : i32 to vector<16xi32>
    %add3A_61 = arith.addi %iota3A, %add3A_60 : vector<16xi32>
    %gt3A = arith.cmpf ogt, %get3A_58, %scan3A_48#0 : vector<16xf32>
    %select_n3A = arith.select %gt3A, %get3A_58, %scan3A_48#0 : vector<16xi1>, vector<16xf32>
    %select_n3A_62 = arith.select %gt3A, %add3A_61, %scan3A_48#7 : vector<16xi1>, vector<16xi32>
    %get3A_63 = arith.constant 31264 : index
    %get3A_64 = tpu.vector_load %arg5[%get3A_63] {strides = array<i32>} : memref<31312xf32, #tpu.memory_space<vmem>>, vector<16xf32>,
    %get3A_65 = vector.shape_cast %get3A_64 : vector<16xf32> to vector<16xf32>
    %add3A_66 = arith.constant 999952 : i32
    %add3A_67 = vector.broadcast %add3A_66 : i32 to vector<16xi32>
    %add3A_68 = arith.addi %iota3A, %add3A_67 : vector<16xi32>
    %gt3A_69 = arith.cmpf ogt, %get3A_65, %select_n3A : vector<16xf32>
    %select_n3A_70 = arith.select %gt3A_69, %get3A_65, %select_n3A : vector<16xi1>, vector<16xf32>
    %select_n3A_71 = arith.select %gt3A_69, %add3A_68, %select_n3A_62 : vector<16xi1>, vector<16xi32>
    %get3A_72 = arith.constant 31280 : index
    %get3A_73 = tpu.vector_load %arg5[%get3A_72] {strides = array<i32>} : memref<31312xf32, #tpu.memory_space<vmem>>, vector<16xf32>,
    %get3A_74 = vector.shape_cast %get3A_73 : vector<16xf32> to vector<16xf32>
    %add3A_75 = arith.constant 999968 : i32
    %add3A_76 = vector.broadcast %add3A_75 : i32 to vector<16xi32>
    %add3A_77 = arith.addi %iota3A, %add3A_76 : vector<16xi32>
    %gt3A_78 = arith.cmpf ogt, %get3A_74, %select_n3A_70 : vector<16xf32>
    %select_n3A_79 = arith.select %gt3A_78, %get3A_74, %select_n3A_70 : vector<16xi1>, vector<16xf32>
    %select_n3A_80 = arith.select %gt3A_78, %add3A_77, %select_n3A_71 : vector<16xi1>, vector<16xi32>
    %get3A_81 = arith.constant 31296 : index
    %get3A_82 = tpu.vector_load %arg5[%get3A_81] {strides = array<i32>} : memref<31312xf32, #tpu.memory_space<vmem>>, vector<16xf32>,
    %get3A_83 = vector.shape_cast %get3A_82 : vector<16xf32> to vector<16xf32>
    %add3A_84 = arith.constant 999984 : i32
    %add3A_85 = vector.broadcast %add3A_84 : i32 to vector<16xi32>
    %add3A_86 = arith.addi %iota3A, %add3A_85 : vector<16xi32>
    %gt3A_87 = arith.cmpf ogt, %get3A_83, %select_n3A_79 : vector<16xf32>
    %select_n3A_88 = arith.select %gt3A_87, %get3A_83, %select_n3A_79 : vector<16xi1>, vector<16xf32>
    %select_n3A_89 = arith.select %gt3A_87, %add3A_86, %select_n3A_80 : vector<16xi1>, vector<16xi32>
    %gt3A_90 = arith.cmpf ogt, %scan3A_48#1, %select_n3A_88 : vector<16xf32>
    %eq3A = arith.cmpf oeq, %scan3A_48#1, %select_n3A_88 : vector<16xf32>
    %lt3A = arith.cmpi slt, %scan3A_48#8, %select_n3A_89 : vector<16xi32>
    %and3A = arith.andi %eq3A, %lt3A : vector<16xi1>
    %or3A = arith.ori %gt3A_90, %and3A : vector<16xi1>
    %select_n3A_91 = arith.select %or3A, %scan3A_48#1, %select_n3A_88 : vector<16xi1>, vector<16xf32>
    %select_n3A_92 = arith.select %or3A, %scan3A_48#8, %select_n3A_89 : vector<16xi1>, vector<16xi32>
    %gt3A_93 = arith.cmpf ogt, %scan3A_48#2, %select_n3A_91 : vector<16xf32>
    %eq3A_94 = arith.cmpf oeq, %scan3A_48#2, %select_n3A_91 : vector<16xf32>
    %lt3A_95 = arith.cmpi slt, %scan3A_48#9, %select_n3A_92 : vector<16xi32>
    %and3A_96 = arith.andi %eq3A_94, %lt3A_95 : vector<16xi1>
    %or3A_97 = arith.ori %gt3A_93, %and3A_96 : vector<16xi1>
    %select_n3A_98 = arith.select %or3A_97, %scan3A_48#2, %select_n3A_91 : vector<16xi1>, vector<16xf32>
    %select_n3A_99 = arith.select %or3A_97, %scan3A_48#9, %select_n3A_92 : vector<16xi1>, vector<16xi32>
    %gt3A_100 = arith.cmpf ogt, %scan3A_48#3, %select_n3A_98 : vector<16xf32>
    %eq3A_101 = arith.cmpf oeq, %scan3A_48#3, %select_n3A_98 : vector<16xf32>
    %lt3A_102 = arith.cmpi slt, %scan3A_48#10, %select_n3A_99 : vector<16xi32>
    %and3A_103 = arith.andi %eq3A_101, %lt3A_102 : vector<16xi1>
    %or3A_104 = arith.ori %gt3A_100, %and3A_103 : vector<16xi1>
    %select_n3A_105 = arith.select %or3A_104, %scan3A_48#3, %select_n3A_98 : vector<16xi1>, vector<16xf32>
    %select_n3A_106 = arith.select %or3A_104, %scan3A_48#10, %select_n3A_99 : vector<16xi1>, vector<16xi32>
    %gt3A_107 = arith.cmpf ogt, %scan3A_48#4, %select_n3A_105 : vector<16xf32>
    %eq3A_108 = arith.cmpf oeq, %scan3A_48#4, %select_n3A_105 : vector<16xf32>
    %lt3A_109 = arith.cmpi slt, %scan3A_48#11, %select_n3A_106 : vector<16xi32>
    %and3A_110 = arith.andi %eq3A_108, %lt3A_109 : vector<16xi1>
    %or3A_111 = arith.ori %gt3A_107, %and3A_110 : vector<16xi1>
    %select_n3A_112 = arith.select %or3A_111, %scan3A_48#4, %select_n3A_105 : vector<16xi1>, vector<16xf32>
    %select_n3A_113 = arith.select %or3A_111, %scan3A_48#11, %select_n3A_106 : vector<16xi1>, vector<16xi32>
    %gt3A_114 = arith.cmpf ogt, %scan3A_48#5, %select_n3A_112 : vector<16xf32>
    %eq3A_115 = arith.cmpf oeq, %scan3A_48#5, %select_n3A_112 : vector<16xf32>
    %lt3A_116 = arith.cmpi slt, %scan3A_48#12, %select_n3A_113 : vector<16xi32>
    %and3A_117 = arith.andi %eq3A_115, %lt3A_116 : vector<16xi1>
    %or3A_118 = arith.ori %gt3A_114, %and3A_117 : vector<16xi1>
    %select_n3A_119 = arith.select %or3A_118, %scan3A_48#5, %select_n3A_112 : vector<16xi1>, vector<16xf32>
    %select_n3A_120 = arith.select %or3A_118, %scan3A_48#12, %select_n3A_113 : vector<16xi1>, vector<16xi32>
    %gt3A_121 = arith.cmpf ogt, %scan3A_48#6, %select_n3A_119 : vector<16xf32>
    %eq3A_122 = arith.cmpf oeq, %scan3A_48#6, %select_n3A_119 : vector<16xf32>
    %lt3A_123 = arith.cmpi slt, %scan3A_48#13, %select_n3A_120 : vector<16xi32>
    %and3A_124 = arith.andi %eq3A_122, %lt3A_123 : vector<16xi1>
    %or3A_125 = arith.ori %gt3A_121, %and3A_124 : vector<16xi1>
    %select_n3A_126 = arith.select %or3A_125, %scan3A_48#6, %select_n3A_119 : vector<16xi1>, vector<16xf32>
    %select_n3A_127 = arith.select %or3A_125, %scan3A_48#13, %select_n3A_120 : vector<16xi1>, vector<16xi32>
    %swap3A = arith.constant 0 : index
    %swap3A_128 = tpu.vector_load %arg6[%swap3A] {strides = array<i32>} : memref<16xf32, #tpu.memory_space<vmem>>, vector<16xf32>,
    %swap3A_129 = vector.shape_cast %swap3A_128 : vector<16xf32> to vector<16xf32>
    %swap3A_130 = vector.shape_cast %select_n3A_126 : vector<16xf32> to vector<16xf32>
    tpu.vector_store %arg6[%swap3A], %swap3A_130 {strides = array<i32>} : memref<16xf32, #tpu.memory_space<vmem>>, vector<16xf32>,
    %swap3A_131 = arith.constant 0 : index
    %swap3A_132 = tpu.vector_load %arg7[%swap3A_131] {strides = array<i32>} : memref<16xi32, #tpu.memory_space<vmem>>, vector<16xi32>,
    %swap3A_133 = vector.shape_cast %swap3A_132 : vector<16xi32> to vector<16xi32>
    %swap3A_134 = vector.shape_cast %select_n3A_127 : vector<16xi32> to vector<16xi32>
    tpu.vector_store %arg7[%swap3A_131], %swap3A_134 {strides = array<i32>} : memref<16xi32, #tpu.memory_space<vmem>>, vector<16xi32>,
    %mul3A_135 = arith.constant 16 : i32
    %mul3A_136 = arith.muli %arg1, %mul3A_135 : i32
    "tpu.region"() ({
      %run_scoped3A = tpu.sem_alloc : memref<!tpu.dma_semaphore, #tpu.memory_space<semaphore_mem>>
      %dma_start3A_142 = tpu.memref_slice %arg8[%mul3A_136] : memref<256xf32, #tpu.memory_space<vmem_shared>> -> memref<16xf32, #tpu.memory_space<vmem_shared>>
      %dma_start3A_143 = tpu.memref_slice %arg8[%mul3A_136] : memref<256xf32, #tpu.memory_space<vmem_shared>> -> memref<16xf32, #tpu.memory_space<vmem_shared>>
      tpu.enqueue_dma source(%arg6 : memref<16xf32, #tpu.memory_space<vmem>>) target(%dma_start3A_143 : memref<16xf32, #tpu.memory_space<vmem_shared>>) target_semaphore(%run_scoped3A : memref<!tpu.dma_semaphore, #tpu.memory_space<semaphore_mem>>)
      %dma_wait3A_144 = tpu.memref_slice %arg8[%mul3A_136] : memref<256xf32, #tpu.memory_space<vmem_shared>> -> memref<16xf32, #tpu.memory_space<vmem_shared>>
      %dma_wait3A_145 = tpu.memref_slice %arg8[%mul3A_136] : memref<256xf32, #tpu.memory_space<vmem_shared>> -> memref<16xf32, #tpu.memory_space<vmem_shared>>
      tpu.wait_dma2 semaphore(%run_scoped3A : memref<!tpu.dma_semaphore, #tpu.memory_space<semaphore_mem>>) src(%arg6 : memref<16xf32, #tpu.memory_space<vmem>>) dst(%dma_wait3A_145 : memref<16xf32, #tpu.memory_space<vmem_shared>>)
      tpu.yield
    }) : () -> ()
    %mul3A_137 = arith.constant 16 : i32
    %mul3A_138 = arith.muli %arg1, %mul3A_137 : i32
    "tpu.region"() ({
      %run_scoped3A = tpu.sem_alloc : memref<!tpu.dma_semaphore, #tpu.memory_space<semaphore_mem>>
      %dma_start3A_142 = tpu.memref_slice %arg9[%mul3A_138] : memref<256xi32, #tpu.memory_space<vmem_shared>> -> memref<16xi32, #tpu.memory_space<vmem_shared>>
      %dma_start3A_143 = tpu.memref_slice %arg9[%mul3A_138] : memref<256xi32, #tpu.memory_space<vmem_shared>> -> memref<16xi32, #tpu.memory_space<vmem_shared>>
      tpu.enqueue_dma source(%arg7 : memref<16xi32, #tpu.memory_space<vmem>>) target(%dma_start3A_143 : memref<16xi32, #tpu.memory_space<vmem_shared>>) target_semaphore(%run_scoped3A : memref<!tpu.dma_semaphore, #tpu.memory_space<semaphore_mem>>)
      %dma_wait3A_144 = tpu.memref_slice %arg9[%mul3A_138] : memref<256xi32, #tpu.memory_space<vmem_shared>> -> memref<16xi32, #tpu.memory_space<vmem_shared>>
      %dma_wait3A_145 = tpu.memref_slice %arg9[%mul3A_138] : memref<256xi32, #tpu.memory_space<vmem_shared>> -> memref<16xi32, #tpu.memory_space<vmem_shared>>
      tpu.wait_dma2 semaphore(%run_scoped3A : memref<!tpu.dma_semaphore, #tpu.memory_space<semaphore_mem>>) src(%arg7 : memref<16xi32, #tpu.memory_space<vmem>>) dst(%dma_wait3A_145 : memref<16xi32, #tpu.memory_space<vmem_shared>>)
      tpu.yield
    }) : () -> ()
    %barrier3A = arith.constant 0 : index
    tpu.barrier barrier_id(%barrier3A)
    %eq3A_139 = arith.constant 0 : i32
    %eq3A_140 = arith.cmpi eq, %arg1, %eq3A_139 : i32
    %convert_element_type3A = arith.extui %eq3A_140 : i1 to i32
    %cond3A = arith.constant 0 : i32
    %cond3A_141 = arith.cmpi ne, %convert_element_type3A, %cond3A : i32
    scf.if %cond3A_141 {
      "tpu.region"() ({
        %run_scoped3A = tpu.sem_alloc : memref<!tpu.dma_semaphore, #tpu.memory_space<semaphore_mem>>
        tpu.enqueue_dma source(%arg8 : memref<256xf32, #tpu.memory_space<vmem_shared>>) target(%arg10 : memref<256xf32, #tpu.memory_space<vmem>>) target_semaphore(%run_scoped3A : memref<!tpu.dma_semaphore, #tpu.memory_space<semaphore_mem>>)
        tpu.wait_dma2 semaphore(%run_scoped3A : memref<!tpu.dma_semaphore, #tpu.memory_space<semaphore_mem>>) src(%arg8 : memref<256xf32, #tpu.memory_space<vmem_shared>>) dst(%arg10 : memref<256xf32, #tpu.memory_space<vmem>>)
        tpu.yield
      }) : () -> ()
      "tpu.region"() ({
        %run_scoped3A = tpu.sem_alloc : memref<!tpu.dma_semaphore, #tpu.memory_space<semaphore_mem>>
        tpu.enqueue_dma source(%arg9 : memref<256xi32, #tpu.memory_space<vmem_shared>>) target(%arg11 : memref<256xi32, #tpu.memory_space<vmem>>) target_semaphore(%run_scoped3A : memref<!tpu.dma_semaphore, #tpu.memory_space<semaphore_mem>>)
        tpu.wait_dma2 semaphore(%run_scoped3A : memref<!tpu.dma_semaphore, #tpu.memory_space<semaphore_mem>>) src(%arg9 : memref<256xi32, #tpu.memory_space<vmem_shared>>) dst(%arg11 : memref<256xi32, #tpu.memory_space<vmem>>)
        tpu.yield
      }) : () -> ()
      %get3A_142 = arith.constant 0 : index
      %get3A_143 = tpu.vector_load %arg10[%get3A_142] {strides = array<i32>} : memref<256xf32, #tpu.memory_space<vmem>>, vector<16xf32>,
      %get3A_144 = vector.shape_cast %get3A_143 : vector<16xf32> to vector<16xf32>
      %get3A_145 = arith.constant 0 : index
      %get3A_146 = tpu.vector_load %arg11[%get3A_145] {strides = array<i32>} : memref<256xi32, #tpu.memory_space<vmem>>, vector<16xi32>,
      %get3A_147 = vector.shape_cast %get3A_146 : vector<16xi32> to vector<16xi32>
      %get3A_148 = arith.constant 16 : index
      %get3A_149 = tpu.vector_load %arg10[%get3A_148] {strides = array<i32>} : memref<256xf32, #tpu.memory_space<vmem>>, vector<16xf32>,
      %get3A_150 = vector.shape_cast %get3A_149 : vector<16xf32> to vector<16xf32>
      %get3A_151 = arith.constant 16 : index
      %get3A_152 = tpu.vector_load %arg11[%get3A_151] {strides = array<i32>} : memref<256xi32, #tpu.memory_space<vmem>>, vector<16xi32>,
      %get3A_153 = vector.shape_cast %get3A_152 : vector<16xi32> to vector<16xi32>
      %gt3A_154 = arith.cmpf ogt, %get3A_150, %get3A_144 : vector<16xf32>
      %eq3A_155 = arith.cmpf oeq, %get3A_150, %get3A_144 : vector<16xf32>
      %lt3A_156 = arith.cmpi slt, %get3A_153, %get3A_147 : vector<16xi32>
      %and3A_157 = arith.andi %eq3A_155, %lt3A_156 : vector<16xi1>
      %or3A_158 = arith.ori %gt3A_154, %and3A_157 : vector<16xi1>
      %select_n3A_159 = arith.select %or3A_158, %get3A_150, %get3A_144 : vector<16xi1>, vector<16xf32>
      %select_n3A_160 = arith.select %or3A_158, %get3A_153, %get3A_147 : vector<16xi1>, vector<16xi32>
      %get3A_161 = arith.constant 32 : index
      %get3A_162 = tpu.vector_load %arg10[%get3A_161] {strides = array<i32>} : memref<256xf32, #tpu.memory_space<vmem>>, vector<16xf32>,
      %get3A_163 = vector.shape_cast %get3A_162 : vector<16xf32> to vector<16xf32>
      %get3A_164 = arith.constant 32 : index
      %get3A_165 = tpu.vector_load %arg11[%get3A_164] {strides = array<i32>} : memref<256xi32, #tpu.memory_space<vmem>>, vector<16xi32>,
      %get3A_166 = vector.shape_cast %get3A_165 : vector<16xi32> to vector<16xi32>
      %gt3A_167 = arith.cmpf ogt, %get3A_163, %select_n3A_159 : vector<16xf32>
      %eq3A_168 = arith.cmpf oeq, %get3A_163, %select_n3A_159 : vector<16xf32>
      %lt3A_169 = arith.cmpi slt, %get3A_166, %select_n3A_160 : vector<16xi32>
      %and3A_170 = arith.andi %eq3A_168, %lt3A_169 : vector<16xi1>
      %or3A_171 = arith.ori %gt3A_167, %and3A_170 : vector<16xi1>
      %select_n3A_172 = arith.select %or3A_171, %get3A_163, %select_n3A_159 : vector<16xi1>, vector<16xf32>
      %select_n3A_173 = arith.select %or3A_171, %get3A_166, %select_n3A_160 : vector<16xi1>, vector<16xi32>
      %get3A_174 = arith.constant 48 : index
      %get3A_175 = tpu.vector_load %arg10[%get3A_174] {strides = array<i32>} : memref<256xf32, #tpu.memory_space<vmem>>, vector<16xf32>,
      %get3A_176 = vector.shape_cast %get3A_175 : vector<16xf32> to vector<16xf32>
      %get3A_177 = arith.constant 48 : index
      %get3A_178 = tpu.vector_load %arg11[%get3A_177] {strides = array<i32>} : memref<256xi32, #tpu.memory_space<vmem>>, vector<16xi32>,
      %get3A_179 = vector.shape_cast %get3A_178 : vector<16xi32> to vector<16xi32>
      %gt3A_180 = arith.cmpf ogt, %get3A_176, %select_n3A_172 : vector<16xf32>
      %eq3A_181 = arith.cmpf oeq, %get3A_176, %select_n3A_172 : vector<16xf32>
      %lt3A_182 = arith.cmpi slt, %get3A_179, %select_n3A_173 : vector<16xi32>
      %and3A_183 = arith.andi %eq3A_181, %lt3A_182 : vector<16xi1>
      %or3A_184 = arith.ori %gt3A_180, %and3A_183 : vector<16xi1>
      %select_n3A_185 = arith.select %or3A_184, %get3A_176, %select_n3A_172 : vector<16xi1>, vector<16xf32>
      %select_n3A_186 = arith.select %or3A_184, %get3A_179, %select_n3A_173 : vector<16xi1>, vector<16xi32>
      %get3A_187 = arith.constant 64 : index
      %get3A_188 = tpu.vector_load %arg10[%get3A_187] {strides = array<i32>} : memref<256xf32, #tpu.memory_space<vmem>>, vector<16xf32>,
      %get3A_189 = vector.shape_cast %get3A_188 : vector<16xf32> to vector<16xf32>
      %get3A_190 = arith.constant 64 : index
      %get3A_191 = tpu.vector_load %arg11[%get3A_190] {strides = array<i32>} : memref<256xi32, #tpu.memory_space<vmem>>, vector<16xi32>,
      %get3A_192 = vector.shape_cast %get3A_191 : vector<16xi32> to vector<16xi32>
      %gt3A_193 = arith.cmpf ogt, %get3A_189, %select_n3A_185 : vector<16xf32>
      %eq3A_194 = arith.cmpf oeq, %get3A_189, %select_n3A_185 : vector<16xf32>
      %lt3A_195 = arith.cmpi slt, %get3A_192, %select_n3A_186 : vector<16xi32>
      %and3A_196 = arith.andi %eq3A_194, %lt3A_195 : vector<16xi1>
      %or3A_197 = arith.ori %gt3A_193, %and3A_196 : vector<16xi1>
      %select_n3A_198 = arith.select %or3A_197, %get3A_189, %select_n3A_185 : vector<16xi1>, vector<16xf32>
      %select_n3A_199 = arith.select %or3A_197, %get3A_192, %select_n3A_186 : vector<16xi1>, vector<16xi32>
      %get3A_200 = arith.constant 80 : index
      %get3A_201 = tpu.vector_load %arg10[%get3A_200] {strides = array<i32>} : memref<256xf32, #tpu.memory_space<vmem>>, vector<16xf32>,
      %get3A_202 = vector.shape_cast %get3A_201 : vector<16xf32> to vector<16xf32>
      %get3A_203 = arith.constant 80 : index
      %get3A_204 = tpu.vector_load %arg11[%get3A_203] {strides = array<i32>} : memref<256xi32, #tpu.memory_space<vmem>>, vector<16xi32>,
      %get3A_205 = vector.shape_cast %get3A_204 : vector<16xi32> to vector<16xi32>
      %gt3A_206 = arith.cmpf ogt, %get3A_202, %select_n3A_198 : vector<16xf32>
      %eq3A_207 = arith.cmpf oeq, %get3A_202, %select_n3A_198 : vector<16xf32>
      %lt3A_208 = arith.cmpi slt, %get3A_205, %select_n3A_199 : vector<16xi32>
      %and3A_209 = arith.andi %eq3A_207, %lt3A_208 : vector<16xi1>
      %or3A_210 = arith.ori %gt3A_206, %and3A_209 : vector<16xi1>
      %select_n3A_211 = arith.select %or3A_210, %get3A_202, %select_n3A_198 : vector<16xi1>, vector<16xf32>
      %select_n3A_212 = arith.select %or3A_210, %get3A_205, %select_n3A_199 : vector<16xi1>, vector<16xi32>
      %get3A_213 = arith.constant 96 : index
      %get3A_214 = tpu.vector_load %arg10[%get3A_213] {strides = array<i32>} : memref<256xf32, #tpu.memory_space<vmem>>, vector<16xf32>,
      %get3A_215 = vector.shape_cast %get3A_214 : vector<16xf32> to vector<16xf32>
      %get3A_216 = arith.constant 96 : index
      %get3A_217 = tpu.vector_load %arg11[%get3A_216] {strides = array<i32>} : memref<256xi32, #tpu.memory_space<vmem>>, vector<16xi32>,
      %get3A_218 = vector.shape_cast %get3A_217 : vector<16xi32> to vector<16xi32>
      %gt3A_219 = arith.cmpf ogt, %get3A_215, %select_n3A_211 : vector<16xf32>
      %eq3A_220 = arith.cmpf oeq, %get3A_215, %select_n3A_211 : vector<16xf32>
      %lt3A_221 = arith.cmpi slt, %get3A_218, %select_n3A_212 : vector<16xi32>
      %and3A_222 = arith.andi %eq3A_220, %lt3A_221 : vector<16xi1>
      %or3A_223 = arith.ori %gt3A_219, %and3A_222 : vector<16xi1>
      %select_n3A_224 = arith.select %or3A_223, %get3A_215, %select_n3A_211 : vector<16xi1>, vector<16xf32>
      %select_n3A_225 = arith.select %or3A_223, %get3A_218, %select_n3A_212 : vector<16xi1>, vector<16xi32>
      %get3A_226 = arith.constant 112 : index
      %get3A_227 = tpu.vector_load %arg10[%get3A_226] {strides = array<i32>} : memref<256xf32, #tpu.memory_space<vmem>>, vector<16xf32>,
      %get3A_228 = vector.shape_cast %get3A_227 : vector<16xf32> to vector<16xf32>
      %get3A_229 = arith.constant 112 : index
      %get3A_230 = tpu.vector_load %arg11[%get3A_229] {strides = array<i32>} : memref<256xi32, #tpu.memory_space<vmem>>, vector<16xi32>,
      %get3A_231 = vector.shape_cast %get3A_230 : vector<16xi32> to vector<16xi32>
      %gt3A_232 = arith.cmpf ogt, %get3A_228, %select_n3A_224 : vector<16xf32>
      %eq3A_233 = arith.cmpf oeq, %get3A_228, %select_n3A_224 : vector<16xf32>
      %lt3A_234 = arith.cmpi slt, %get3A_231, %select_n3A_225 : vector<16xi32>
      %and3A_235 = arith.andi %eq3A_233, %lt3A_234 : vector<16xi1>
      %or3A_236 = arith.ori %gt3A_232, %and3A_235 : vector<16xi1>
      %select_n3A_237 = arith.select %or3A_236, %get3A_228, %select_n3A_224 : vector<16xi1>, vector<16xf32>
      %select_n3A_238 = arith.select %or3A_236, %get3A_231, %select_n3A_225 : vector<16xi1>, vector<16xi32>
      %get3A_239 = arith.constant 128 : index
      %get3A_240 = tpu.vector_load %arg10[%get3A_239] {strides = array<i32>} : memref<256xf32, #tpu.memory_space<vmem>>, vector<16xf32>,
      %get3A_241 = vector.shape_cast %get3A_240 : vector<16xf32> to vector<16xf32>
      %get3A_242 = arith.constant 128 : index
      %get3A_243 = tpu.vector_load %arg11[%get3A_242] {strides = array<i32>} : memref<256xi32, #tpu.memory_space<vmem>>, vector<16xi32>,
      %get3A_244 = vector.shape_cast %get3A_243 : vector<16xi32> to vector<16xi32>
      %gt3A_245 = arith.cmpf ogt, %get3A_241, %select_n3A_237 : vector<16xf32>
      %eq3A_246 = arith.cmpf oeq, %get3A_241, %select_n3A_237 : vector<16xf32>
      %lt3A_247 = arith.cmpi slt, %get3A_244, %select_n3A_238 : vector<16xi32>
      %and3A_248 = arith.andi %eq3A_246, %lt3A_247 : vector<16xi1>
      %or3A_249 = arith.ori %gt3A_245, %and3A_248 : vector<16xi1>
      %select_n3A_250 = arith.select %or3A_249, %get3A_241, %select_n3A_237 : vector<16xi1>, vector<16xf32>
      %select_n3A_251 = arith.select %or3A_249, %get3A_244, %select_n3A_238 : vector<16xi1>, vector<16xi32>
      %get3A_252 = arith.constant 144 : index
      %get3A_253 = tpu.vector_load %arg10[%get3A_252] {strides = array<i32>} : memref<256xf32, #tpu.memory_space<vmem>>, vector<16xf32>,
      %get3A_254 = vector.shape_cast %get3A_253 : vector<16xf32> to vector<16xf32>
      %get3A_255 = arith.constant 144 : index
      %get3A_256 = tpu.vector_load %arg11[%get3A_255] {strides = array<i32>} : memref<256xi32, #tpu.memory_space<vmem>>, vector<16xi32>,
      %get3A_257 = vector.shape_cast %get3A_256 : vector<16xi32> to vector<16xi32>
      %gt3A_258 = arith.cmpf ogt, %get3A_254, %select_n3A_250 : vector<16xf32>
      %eq3A_259 = arith.cmpf oeq, %get3A_254, %select_n3A_250 : vector<16xf32>
      %lt3A_260 = arith.cmpi slt, %get3A_257, %select_n3A_251 : vector<16xi32>
      %and3A_261 = arith.andi %eq3A_259, %lt3A_260 : vector<16xi1>
      %or3A_262 = arith.ori %gt3A_258, %and3A_261 : vector<16xi1>
      %select_n3A_263 = arith.select %or3A_262, %get3A_254, %select_n3A_250 : vector<16xi1>, vector<16xf32>
      %select_n3A_264 = arith.select %or3A_262, %get3A_257, %select_n3A_251 : vector<16xi1>, vector<16xi32>
      %get3A_265 = arith.constant 160 : index
      %get3A_266 = tpu.vector_load %arg10[%get3A_265] {strides = array<i32>} : memref<256xf32, #tpu.memory_space<vmem>>, vector<16xf32>,
      %get3A_267 = vector.shape_cast %get3A_266 : vector<16xf32> to vector<16xf32>
      %get3A_268 = arith.constant 160 : index
      %get3A_269 = tpu.vector_load %arg11[%get3A_268] {strides = array<i32>} : memref<256xi32, #tpu.memory_space<vmem>>, vector<16xi32>,
      %get3A_270 = vector.shape_cast %get3A_269 : vector<16xi32> to vector<16xi32>
      %gt3A_271 = arith.cmpf ogt, %get3A_267, %select_n3A_263 : vector<16xf32>
      %eq3A_272 = arith.cmpf oeq, %get3A_267, %select_n3A_263 : vector<16xf32>
      %lt3A_273 = arith.cmpi slt, %get3A_270, %select_n3A_264 : vector<16xi32>
      %and3A_274 = arith.andi %eq3A_272, %lt3A_273 : vector<16xi1>
      %or3A_275 = arith.ori %gt3A_271, %and3A_274 : vector<16xi1>
      %select_n3A_276 = arith.select %or3A_275, %get3A_267, %select_n3A_263 : vector<16xi1>, vector<16xf32>
      %select_n3A_277 = arith.select %or3A_275, %get3A_270, %select_n3A_264 : vector<16xi1>, vector<16xi32>
      %get3A_278 = arith.constant 176 : index
      %get3A_279 = tpu.vector_load %arg10[%get3A_278] {strides = array<i32>} : memref<256xf32, #tpu.memory_space<vmem>>, vector<16xf32>,
      %get3A_280 = vector.shape_cast %get3A_279 : vector<16xf32> to vector<16xf32>
      %get3A_281 = arith.constant 176 : index
      %get3A_282 = tpu.vector_load %arg11[%get3A_281] {strides = array<i32>} : memref<256xi32, #tpu.memory_space<vmem>>, vector<16xi32>,
      %get3A_283 = vector.shape_cast %get3A_282 : vector<16xi32> to vector<16xi32>
      %gt3A_284 = arith.cmpf ogt, %get3A_280, %select_n3A_276 : vector<16xf32>
      %eq3A_285 = arith.cmpf oeq, %get3A_280, %select_n3A_276 : vector<16xf32>
      %lt3A_286 = arith.cmpi slt, %get3A_283, %select_n3A_277 : vector<16xi32>
      %and3A_287 = arith.andi %eq3A_285, %lt3A_286 : vector<16xi1>
      %or3A_288 = arith.ori %gt3A_284, %and3A_287 : vector<16xi1>
      %select_n3A_289 = arith.select %or3A_288, %get3A_280, %select_n3A_276 : vector<16xi1>, vector<16xf32>
      %select_n3A_290 = arith.select %or3A_288, %get3A_283, %select_n3A_277 : vector<16xi1>, vector<16xi32>
      %get3A_291 = arith.constant 192 : index
      %get3A_292 = tpu.vector_load %arg10[%get3A_291] {strides = array<i32>} : memref<256xf32, #tpu.memory_space<vmem>>, vector<16xf32>,
      %get3A_293 = vector.shape_cast %get3A_292 : vector<16xf32> to vector<16xf32>
      %get3A_294 = arith.constant 192 : index
      %get3A_295 = tpu.vector_load %arg11[%get3A_294] {strides = array<i32>} : memref<256xi32, #tpu.memory_space<vmem>>, vector<16xi32>,
      %get3A_296 = vector.shape_cast %get3A_295 : vector<16xi32> to vector<16xi32>
      %gt3A_297 = arith.cmpf ogt, %get3A_293, %select_n3A_289 : vector<16xf32>
      %eq3A_298 = arith.cmpf oeq, %get3A_293, %select_n3A_289 : vector<16xf32>
      %lt3A_299 = arith.cmpi slt, %get3A_296, %select_n3A_290 : vector<16xi32>
      %and3A_300 = arith.andi %eq3A_298, %lt3A_299 : vector<16xi1>
      %or3A_301 = arith.ori %gt3A_297, %and3A_300 : vector<16xi1>
      %select_n3A_302 = arith.select %or3A_301, %get3A_293, %select_n3A_289 : vector<16xi1>, vector<16xf32>
      %select_n3A_303 = arith.select %or3A_301, %get3A_296, %select_n3A_290 : vector<16xi1>, vector<16xi32>
      %get3A_304 = arith.constant 208 : index
      %get3A_305 = tpu.vector_load %arg10[%get3A_304] {strides = array<i32>} : memref<256xf32, #tpu.memory_space<vmem>>, vector<16xf32>,
      %get3A_306 = vector.shape_cast %get3A_305 : vector<16xf32> to vector<16xf32>
      %get3A_307 = arith.constant 208 : index
      %get3A_308 = tpu.vector_load %arg11[%get3A_307] {strides = array<i32>} : memref<256xi32, #tpu.memory_space<vmem>>, vector<16xi32>,
      %get3A_309 = vector.shape_cast %get3A_308 : vector<16xi32> to vector<16xi32>
      %gt3A_310 = arith.cmpf ogt, %get3A_306, %select_n3A_302 : vector<16xf32>
      %eq3A_311 = arith.cmpf oeq, %get3A_306, %select_n3A_302 : vector<16xf32>
      %lt3A_312 = arith.cmpi slt, %get3A_309, %select_n3A_303 : vector<16xi32>
      %and3A_313 = arith.andi %eq3A_311, %lt3A_312 : vector<16xi1>
      %or3A_314 = arith.ori %gt3A_310, %and3A_313 : vector<16xi1>
      %select_n3A_315 = arith.select %or3A_314, %get3A_306, %select_n3A_302 : vector<16xi1>, vector<16xf32>
      %select_n3A_316 = arith.select %or3A_314, %get3A_309, %select_n3A_303 : vector<16xi1>, vector<16xi32>
      %get3A_317 = arith.constant 224 : index
      %get3A_318 = tpu.vector_load %arg10[%get3A_317] {strides = array<i32>} : memref<256xf32, #tpu.memory_space<vmem>>, vector<16xf32>,
      %get3A_319 = vector.shape_cast %get3A_318 : vector<16xf32> to vector<16xf32>
      %get3A_320 = arith.constant 224 : index
      %get3A_321 = tpu.vector_load %arg11[%get3A_320] {strides = array<i32>} : memref<256xi32, #tpu.memory_space<vmem>>, vector<16xi32>,
      %get3A_322 = vector.shape_cast %get3A_321 : vector<16xi32> to vector<16xi32>
      %gt3A_323 = arith.cmpf ogt, %get3A_319, %select_n3A_315 : vector<16xf32>
      %eq3A_324 = arith.cmpf oeq, %get3A_319, %select_n3A_315 : vector<16xf32>
      %lt3A_325 = arith.cmpi slt, %get3A_322, %select_n3A_316 : vector<16xi32>
      %and3A_326 = arith.andi %eq3A_324, %lt3A_325 : vector<16xi1>
      %or3A_327 = arith.ori %gt3A_323, %and3A_326 : vector<16xi1>
      %select_n3A_328 = arith.select %or3A_327, %get3A_319, %select_n3A_315 : vector<16xi1>, vector<16xf32>
      %select_n3A_329 = arith.select %or3A_327, %get3A_322, %select_n3A_316 : vector<16xi1>, vector<16xi32>
      %get3A_330 = arith.constant 240 : index
      %get3A_331 = tpu.vector_load %arg10[%get3A_330] {strides = array<i32>} : memref<256xf32, #tpu.memory_space<vmem>>, vector<16xf32>,
      %get3A_332 = vector.shape_cast %get3A_331 : vector<16xf32> to vector<16xf32>
      %get3A_333 = arith.constant 240 : index
      %get3A_334 = tpu.vector_load %arg11[%get3A_333] {strides = array<i32>} : memref<256xi32, #tpu.memory_space<vmem>>, vector<16xi32>,
      %get3A_335 = vector.shape_cast %get3A_334 : vector<16xi32> to vector<16xi32>
      %gt3A_336 = arith.cmpf ogt, %get3A_332, %select_n3A_328 : vector<16xf32>
      %eq3A_337 = arith.cmpf oeq, %get3A_332, %select_n3A_328 : vector<16xf32>
      %lt3A_338 = arith.cmpi slt, %get3A_335, %select_n3A_329 : vector<16xi32>
      %and3A_339 = arith.andi %eq3A_337, %lt3A_338 : vector<16xi1>
      %or3A_340 = arith.ori %gt3A_336, %and3A_339 : vector<16xi1>
      %select_n3A_341 = arith.select %or3A_340, %get3A_332, %select_n3A_328 : vector<16xi1>, vector<16xf32>
      %select_n3A_342 = arith.select %or3A_340, %get3A_335, %select_n3A_329 : vector<16xi1>, vector<16xi32>
      %swap3A_343 = arith.constant 0 : index
      %swap3A_344 = tpu.vector_load %arg6[%swap3A_343] {strides = array<i32>} : memref<16xf32, #tpu.memory_space<vmem>>, vector<16xf32>,
      %swap3A_345 = vector.shape_cast %swap3A_344 : vector<16xf32> to vector<16xf32>
      %swap3A_346 = vector.shape_cast %select_n3A_341 : vector<16xf32> to vector<16xf32>
      tpu.vector_store %arg6[%swap3A_343], %swap3A_346 {strides = array<i32>} : memref<16xf32, #tpu.memory_space<vmem>>, vector<16xf32>,
      %swap3A_347 = arith.constant 0 : index
      %swap3A_348 = tpu.vector_load %arg7[%swap3A_347] {strides = array<i32>} : memref<16xi32, #tpu.memory_space<vmem>>, vector<16xi32>,
      %swap3A_349 = vector.shape_cast %swap3A_348 : vector<16xi32> to vector<16xi32>
      %swap3A_350 = vector.shape_cast %select_n3A_342 : vector<16xi32> to vector<16xi32>
      tpu.vector_store %arg7[%swap3A_347], %swap3A_350 {strides = array<i32>} : memref<16xi32, #tpu.memory_space<vmem>>, vector<16xi32>,
      "tpu.region"() ({
        %run_scoped3A = tpu.sem_alloc : memref<!tpu.dma_semaphore, #tpu.memory_space<semaphore_mem>>
        %dma_start3A_351 = arith.constant 0 : i32
        %dma_start3A_352 = tpu.memref_slice %arg3[%arg0, %dma_start3A_351] : memref<2x16xf32, #tpu.memory_space<hbm>> -> memref<1x16xf32, #tpu.memory_space<hbm>>
        %dma_start3A_353 = tpu.memref_squeeze %dma_start3A_352 : memref<1x16xf32, #tpu.memory_space<hbm>> -> memref<16xf32, #tpu.memory_space<hbm>>
        %dma_start3A_354 = arith.constant 0 : i32
        %dma_start3A_355 = tpu.memref_slice %arg3[%arg0, %dma_start3A_354] : memref<2x16xf32, #tpu.memory_space<hbm>> -> memref<1x16xf32, #tpu.memory_space<hbm>>
        %dma_start3A_356 = tpu.memref_squeeze %dma_start3A_355 : memref<1x16xf32, #tpu.memory_space<hbm>> -> memref<16xf32, #tpu.memory_space<hbm>>
        tpu.enqueue_dma source(%arg6 : memref<16xf32, #tpu.memory_space<vmem>>) target(%dma_start3A_356 : memref<16xf32, #tpu.memory_space<hbm>>) target_semaphore(%run_scoped3A : memref<!tpu.dma_semaphore, #tpu.memory_space<semaphore_mem>>)
        %dma_wait3A_357 = arith.constant 0 : i32
        %dma_wait3A_358 = tpu.memref_slice %arg3[%arg0, %dma_wait3A_357] : memref<2x16xf32, #tpu.memory_space<hbm>> -> memref<1x16xf32, #tpu.memory_space<hbm>>
        %dma_wait3A_359 = tpu.memref_squeeze %dma_wait3A_358 : memref<1x16xf32, #tpu.memory_space<hbm>> -> memref<16xf32, #tpu.memory_space<hbm>>
        %dma_wait3A_360 = arith.constant 0 : i32
        %dma_wait3A_361 = tpu.memref_slice %arg3[%arg0, %dma_wait3A_360] : memref<2x16xf32, #tpu.memory_space<hbm>> -> memref<1x16xf32, #tpu.memory_space<hbm>>
        %dma_wait3A_362 = tpu.memref_squeeze %dma_wait3A_361 : memref<1x16xf32, #tpu.memory_space<hbm>> -> memref<16xf32, #tpu.memory_space<hbm>>
        tpu.wait_dma2 semaphore(%run_scoped3A : memref<!tpu.dma_semaphore, #tpu.memory_space<semaphore_mem>>) src(%arg6 : memref<16xf32, #tpu.memory_space<vmem>>) dst(%dma_wait3A_362 : memref<16xf32, #tpu.memory_space<hbm>>)
        tpu.yield
      }) : () -> ()
      "tpu.region"() ({
        %run_scoped3A = tpu.sem_alloc : memref<!tpu.dma_semaphore, #tpu.memory_space<semaphore_mem>>
        %dma_start3A_351 = arith.constant 0 : i32
        %dma_start3A_352 = tpu.memref_slice %arg4[%arg0, %dma_start3A_351] : memref<2x16xi32, #tpu.memory_space<hbm>> -> memref<1x16xi32, #tpu.memory_space<hbm>>
        %dma_start3A_353 = tpu.memref_squeeze %dma_start3A_352 : memref<1x16xi32, #tpu.memory_space<hbm>> -> memref<16xi32, #tpu.memory_space<hbm>>
        %dma_start3A_354 = arith.constant 0 : i32
        %dma_start3A_355 = tpu.memref_slice %arg4[%arg0, %dma_start3A_354] : memref<2x16xi32, #tpu.memory_space<hbm>> -> memref<1x16xi32, #tpu.memory_space<hbm>>
        %dma_start3A_356 = tpu.memref_squeeze %dma_start3A_355 : memref<1x16xi32, #tpu.memory_space<hbm>> -> memref<16xi32, #tpu.memory_space<hbm>>
        tpu.enqueue_dma source(%arg7 : memref<16xi32, #tpu.memory_space<vmem>>) target(%dma_start3A_356 : memref<16xi32, #tpu.memory_space<hbm>>) target_semaphore(%run_scoped3A : memref<!tpu.dma_semaphore, #tpu.memory_space<semaphore_mem>>)
        %dma_wait3A_357 = arith.constant 0 : i32
        %dma_wait3A_358 = tpu.memref_slice %arg4[%arg0, %dma_wait3A_357] : memref<2x16xi32, #tpu.memory_space<hbm>> -> memref<1x16xi32, #tpu.memory_space<hbm>>
        %dma_wait3A_359 = tpu.memref_squeeze %dma_wait3A_358 : memref<1x16xi32, #tpu.memory_space<hbm>> -> memref<16xi32, #tpu.memory_space<hbm>>
        %dma_wait3A_360 = arith.constant 0 : i32
        %dma_wait3A_361 = tpu.memref_slice %arg4[%arg0, %dma_wait3A_360] : memref<2x16xi32, #tpu.memory_space<hbm>> -> memref<1x16xi32, #tpu.memory_space<hbm>>
        %dma_wait3A_362 = tpu.memref_squeeze %dma_wait3A_361 : memref<1x16xi32, #tpu.memory_space<hbm>> -> memref<16xi32, #tpu.memory_space<hbm>>
        tpu.wait_dma2 semaphore(%run_scoped3A : memref<!tpu.dma_semaphore, #tpu.memory_space<semaphore_mem>>) src(%arg7 : memref<16xi32, #tpu.memory_space<vmem>>) dst(%dma_wait3A_362 : memref<16xi32, #tpu.memory_space<hbm>>)
        tpu.yield
      }) : () -> ()
    } else {
    }
    return
  }
}

</mosaic_0001>

<sc_bundles>
// kernel: kernel.3.cloned.1.call-start
scs
__scs_entry_jumppad:
0x0: {  	(pc) =	sbr.rel $0x88, $3  }
0x1: {  	(tag) =	ssettag $0x0;
	lr =	simm.s32 $0x1  }
0x2: {  	[smem:$0x3FA0] =	sst lr;
	_ =	strace $0xD0000000  }
0x3: {  	_ = 	snop  }
0x4: {  	_ = 	snop  }
0x5: {  	_ = 	snop  }
0x6: {  	_ = 	snop  }
0x7: {  	_ = 	snop  }
__scs_overlays_trampoline_lowered:
0x8: {  	[smem:$0x3FAF] =	sst s0  }
0x9: {  	[smem:$0x3FB0] =	sst s1  }
0xa: {  	[smem:$0x3FB1] =	sst s2  }
0xb: {  	[smem:$0x3FB2] =	sst s3  }
0xc: {  	[smem:$0x3FB3] =	sst s4  }
0xd: {  	[smem:$0x3FB4] =	sst s5  }
0xe: {  	[smem:$0x3FB5] =	sst s6  }
0xf: {  	[smem:$0x3FB6] =	sst s7  }
0x10: {  	[smem:$0x3FB7] =	sst s8  }
0x11: {  	[smem:$0x3FB8] =	sst s9;
	s0 =	simm.s32 @!p0 $0x0  }
0x12: {  	s1 =	sld [smem:$0x3F9E];
	s0 =	simm.s32 @p0 $0x1  }
0x13: {  	[smem:$0x3FB9] =	sst s0;
	s0 =	simm.s32 @!p1 $0x0  }
0x14: {  	s2 =	sld [smem:$0x3F9D];
	s0 =	simm.s32 @p1 $0x1  }
0x15: {  	[smem:$0x3FBA] =	sst s0;
	s0 =	simm.s32 @!p2 $0x0  }
0x16: {  	s3 =	sld [smem:$0x3FDB];
	s0 =	simm.s32 @p2 $0x1  }
0x17: {  	s4 =	simm.s32 $0x1BF5;
	[smem:$0x3FBC] =	sst s0  }
0x18: {  	s0 =	sld [smem:$0x3F9F];
	_ =	swait.ge [sflag:s4], $0x0  }
0x19: {  	s7 =	sld [smem:$0x3FA0]  }
0x1a: {  	s8 =	sadd.s32 $0xFFFFE003, lr  }
0x1b: {  	s9 =	sadd.s32 $0xFFFFFEF7, lr;
	s5 =	simm.s32 $0xFFFFFFFF;
	p2 =	slt.u32 s8, $0xFFFFF086  }
0x1c: {  	p1 =	slt.u32 s9, $0xF7A;
	s5 =	simm.s32 @!p2 $0x0  }
0x1d: {  	s5 =	simm.s32 @p1 $0x1;
	p0 =	seq.s32 s7, s2  }
0x1e: {  	s7 =	smul.u32 @!p0 $0xF7A, s2;
	p2 =	seq.s32 @!p0 s5, $0x0  }
0x1f: {  	s9 =	smul.u32 $0xF7A, s1;
	s8 =	simm.s32 @!p0 $0x1BF5;
	p2 =	por !p2, p0  }
0x20: {  	[sflag:s8] =	ssyncset.s32 @!p0 $0xFFFFF086;
	s6 =	sadd.s32 @!p0 s3, s7;
	s7 =	simm.s32 @!p0 $0x108  }
0x21: {  	s3 =	sadd.s32 s3, s9;
	s6 =	sadd.s32 @!p0 $0x88, s6;
	s7 =	simm.s32 @p2 $0x1082  }
0x22: {  	[simem:s7], [sflag:s8] =	dma.local @!p0 [hbm:s6], $0xF7A  }
0x23: {  	s9 =	sor.u32 $0xD0000000, s2;
	s6 =	simm.s32 $0x108;
	_ =	swait.ge @!p0 [sflag:s8], $0x0  }
0x24: {  	s3 =	sadd.s32 $0x88, s3;
	s6 =	simm.s32 @!p1 $0x1082;
	[sflag:s4] =	ssyncset.s32 $0xFFFFF086  }
0x25: {  	[simem:s6], [sflag:s4] =	dma.local [hbm:s3], $0xF7A  }
0x26: {  	[smem:$0x3FA0] =	sst s1;
	(tag) =	ssettag s2;
	_ =	strace s9  }
0x27: {  	s1 =	sld [smem:$0x3FB0]  }
0x28: {  	s2 =	sld [smem:$0x3FB1]  }
0x29: {  	s4 =	sld [smem:$0x3FB3]  }
0x2a: {  	p0 =	seq.s32 s5, $0x0;
	s5 =	sld [smem:$0x3FB4]  }
0x2b: {  	s6 =	sld [smem:$0x3FB5]  }
0x2c: {  	s7 =	sld [smem:$0x3FB6]  }
0x2d: {  	s3 =	simm.s32 $0x108;
	s8 =	sld [smem:$0x3FB7]  }
0x2e: {  	s3 =	simm.s32 @!p0 $0x1082;
	s9 =	sld [smem:$0x3FB8]  }
0x2f: {  	lr =	sadd.s32 s0, s3;
	s0 =	sld [smem:$0x3FAF]  }
0x30: {  	s3 =	sld [smem:$0x3FB2]  }
0x31: {  	[smem:$0x3FBB] =	sst s10  }
0x32: {  	s10 =	sld [smem:$0x3FB9];
	_ =	sdelay $0x3  }
0x33: {  	p0 =	seq.s32 s10, $0x1;
	s10 =	sld [smem:$0x3FBB];
	_ =	sdelay $0x3  }
0x34: {  	[smem:$0x3FBB] =	sst s10  }
0x35: {  	s10 =	sld [smem:$0x3FBA];
	_ =	sdelay $0x3  }
0x36: {  	p1 =	seq.s32 s10, $0x1;
	s10 =	sld [smem:$0x3FBB];
	_ =	sdelay $0x3  }
0x37: {  	[smem:$0x3FBB] =	sst s10  }
0x38: {  	s10 =	sld [smem:$0x3FBC]  }
0x39: {  	_ = 	snop;
	(pc) =	sbr.ind lr, $3  }
0x3a: {  	_ = 	snop  }
0x3b: {  	_ = 	snop  }
0x3c: {  	p2 =	seq.s32 s10, $0x1;
	s10 =	sld [smem:$0x3FBB]  }
0x3d: {  	_ =	shalt  }
0x3e: {  	_ =	shalt  }
0x3f: {  	_ =	shalt  }
0x40: {  	_ =	shalt  }
0x41: {  	_ =	shalt  }
0x42: {  	_ =	shalt  }
0x43: {  	_ =	shalt  }
0x44: {  	_ =	shalt  }
0x45: {  	_ =	shalt  }
0x46: {  	_ =	shalt  }
0x47: {  	_ =	shalt  }
0x48: {  	_ =	shalt  }
0x49: {  	_ =	shalt  }
0x4a: {  	_ =	shalt  }
0x4b: {  	_ =	shalt  }
0x4c: {  	_ =	shalt  }
0x4d: {  	_ =	shalt  }
0x4e: {  	_ =	shalt  }
0x4f: {  	_ =	shalt  }
0x50: {  	_ =	shalt  }
0x51: {  	_ =	shalt  }
0x52: {  	_ =	shalt  }
0x53: {  	_ =	shalt  }
0x54: {  	_ =	shalt  }
0x55: {  	_ =	shalt  }
0x56: {  	_ =	shalt  }
0x57: {  	_ =	shalt  }
0x58: {  	_ =	shalt  }
0x59: {  	_ =	shalt  }
0x5a: {  	_ =	shalt  }
0x5b: {  	_ =	shalt  }
0x5c: {  	_ =	shalt  }
0x5d: {  	_ =	shalt  }
0x5e: {  	_ =	shalt  }
0x5f: {  	_ =	shalt  }
0x60: {  	_ =	shalt  }
0x61: {  	_ =	shalt  }
0x62: {  	_ =	shalt  }
0x63: {  	_ =	shalt  }
0x64: {  	_ =	shalt  }
0x65: {  	_ =	shalt  }
0x66: {  	_ =	shalt  }
0x67: {  	_ =	shalt  }
0x68: {  	_ =	shalt  }
0x69: {  	_ =	shalt  }
0x6a: {  	_ =	shalt  }
0x6b: {  	_ =	shalt  }
0x6c: {  	_ =	shalt  }
0x6d: {  	_ =	shalt  }
0x6e: {  	_ =	shalt  }
0x6f: {  	_ =	shalt  }
0x70: {  	_ =	shalt  }
0x71: {  	_ =	shalt  }
0x72: {  	_ =	shalt  }
0x73: {  	_ =	shalt  }
0x74: {  	_ =	shalt  }
0x75: {  	_ =	shalt  }
0x76: {  	_ =	shalt  }
0x77: {  	_ =	shalt  }
0x78: {  	_ =	shalt  }
0x79: {  	_ =	shalt  }
0x7a: {  	_ =	shalt  }
0x7b: {  	_ =	shalt  }
0x7c: {  	_ =	shalt  }
0x7d: {  	_ =	shalt  }
0x7e: {  	_ =	shalt  }
0x7f: {  	_ =	shalt  }
0x80: {  	_ =	shalt  }
0x81: {  	_ =	shalt  }
0x82: {  	_ =	shalt  }
0x83: {  	_ =	shalt  }
0x84: {  	_ =	shalt  }
0x85: {  	_ =	shalt  }
0x86: {  	_ =	shalt  }
0x87: {  	_ =	shalt  }
.Lfunc_end0:
.L_simem_size_0:
called_computation_lowered:
.L_overlay_start_0:
0x88: {  	s2 =	sld [smem:$0x3FD9]  }
0x89: {  	s3 =	sld [smem:$0x3FFE];
	_ =	sdelay $0x1  }
0x8a: {  	s1 =	srdreg.scid  }
0x8b: {  	s0 =	sand.u32 $0x1, s1  }
0x8c: {  	s17 =	sshll.u32 s0, $0xA;
	s2 =	sadd.s32 s3, s2  }
0x8d: {  	s2 =	sadd.s32 s2, s17  }
0x8e: {  	[smem:$0x3FC7] =	sst s2  }
0x8f: {  	_ = 	snop  }
0x90: {  	s2 =	sld [smem:$0x3FC9];
	(tm) =	ssettm $0x1  }
0x91: {  	s18 =	sld [smem:$0x3FFB];
	_ =	sdelay $0x3  }
0x92: {  	_ =	strace s18  }
0x93: {  	s3 =	sld [smem:$0x3FFC];
	_ =	sdelay $0x3  }
0x94: {  	_ =	strace s3  }
0x95: {  	s3 =	sld [smem:$0x3FFD];
	_ =	sdelay $0x3  }
0x96: {  	_ =	strace s3  }
0x97: {  	_ =	strace $0x8FFFFFFF  }
0x98: {  	s19 =	sld [smem:$0x3FDB];
	_ =	sdelay $0x1  }
0x99: {  	s4 =	simm.s32 $_scs_section_size  }
0x9a: {  	s5 =	simm.s32 $_size__tile_overlayer_lowered;
	s6 =	simm.s32 $_tile_overlayer_lowered  }
0x9b: {  	s22 =	simm.s32 $0x1BFF;
	s21 =	sshll.u32 s6, $0x1;
	s3 =	sadd.s32 s4, s19  }
0x9c: {  	s7 =	simm.s32 $0x0;
	s20 =	sshll.u32 s5, $0x1;
	s5 =	sadd.s32 s21, s3  }
0x9d: {  	[timem:s7], [sflag:s22] =	dma.local [hbm:s5], s20  }
0x9e: {  	_ =	swait.ge [sflag:s22], s20  }
0x9f: {  	s4 =	ssub.s32 $0x0, s20;
	[sflag:s22] =	ssyncset.done $0x0  }
0xa0: {  	[sflag:s22] =	ssyncadd.s32 s4;
	_ =	sdelay $0x1  }
0xa1: {  	s23 =	simm.s32 $0x1B8B  }
0xa2: {  	_ =	swait.ge [sflag:s23], $0x1  }
0xa3: {  	[sflag:s23] =	ssyncset.done $0x0  }
0xa4: {  	s25 =	simm.s32 $0x1B8E;
	s24 =	sld [smem:$0x3FFE];
	[sflag:s23] =	ssyncadd.s32 $0xFFFFFFFF  }
0xa5: {  	s26 =	simm.s32 $execute0_lowered;
	[smem:$0x3FD2] =	sst s25  }
0xa6: {  	s5 =	sshll.u32 s26, $0x1;
	_ =	strace $0x80000046;
	[dreg:$0x1] =	wrdreg $0xFFFFFFFF  }
0xa7: {  	s28 =	simm.s32 $_size_execute0_lowered;
	s3 =	sadd.s32 s3, s5;
	[dreg:$0x0] =	wrdreg $0x0  }
0xa8: {  	s5 =	sshll.u32 s28, $0x1;
	[dreg:$0x2] =	wrdreg s3  }
0xa9: {  	[dreg:$0x3] =	wrdreg s5  }
0xaa: {  	[dreg:$0x4] =	wrdreg $0xC0  }
0xab: {  	_ =	task [dreg:s7], $0x5FFFF  }
0xac: {  	[dreg:$0x1] =	wrdreg $0xFFFFFFFF  }
0xad: {  	[dreg:$0x0] =	wrdreg $0x60  }
0xae: {  	[dreg:$0x2] =	wrdreg s2  }
0xaf: {  	[dreg:$0x3] =	wrdreg s24  }
0xb0: {  	[dreg:$0x4] =	wrdreg $0x7B800  }
0xb1: {  	[dreg:$0x5] =	wrdreg $0x7B900  }
0xb2: {  	[dreg:$0x6] =	wrdreg $0x9  }
0xb3: {  	_ =	task.clear_ibuf [dreg:s7], $0x7FFFF;
	_ =	strace $0x90000046  }
0xb4: {  	s29 =	simm.s32 $0x9;
	_ =	strace $0x80000048  }
0xb5: {  	_ =	swait.ge [sflag:s29], $0x1  }
0xb6: {  	[sflag:s29] =	ssyncadd.s32 $0xFFFFFFFF  }
0xb7: {  	_ =	strace $0x90000048  }
0xb8: {  	_ =	sfence  }
0xb9: {  	s30 =	sld [smem:$0x0];
	_ =	sdelay $0x2  }
0xba: {  	s31 =	sshll.u32 s1, $0xD;
	s1 =	sshrl.u32 s1, $0x2  }
0xbb: {  	s3 =	sand.u32 $0x4000, s31;
	s1 =	sadd.s32 s1, s30  }
0xbc: {  	s0 =	sor.u32 s3, s0;
	s1 =	sshll.u32 s1, $0x11  }
0xbd: {  	s0 =	sor.u32 s1, s0  }
0xbe: {  	s0 =	sadd.s32 $0x8F2B, s0  }
0xbf: {  	[sflag:s0] =	ssyncadd.remote.s32 $0x1  }
0xc0: {  	_ =	sfence.sel $0xFFFF  }
0xc1: {  	[dreg:$0x0] =	wrdreg $0xFFFFFFFF;
	(pc) =	sbr.abs _section_cstart, $3  }
0xc2: {  	[dreg:$0x1] =	wrdreg $0xFFFFFFFF  }
0xc3: {  	_ =	task.clear_ibuf [dreg:s7], $0x2FFFF;
	_ =	strace $0x9FFFFFFF  }
0xc4: {  	(tm) =	ssettm $0x7FFFFFFF  }
0xc5: {  	_ =	shalt  }
tec
execute0_lowered:
.L_overlay_start_1:
0x0: {  	(tag) =	ssettag $0x1  }
0x1: {  	s11 =	rddreg [dreg:$0x0]  }
0x2: {  	s6 =	rddreg [dreg:$0x1]  }
0x3: {  	s1 =	rddreg [dreg:$0x2]  }
0x4: {  	s0 =	srdreg.scid;
	s2 =	rddreg [dreg:$0x3]  }
0x5: {  	s3 =	simm.s32 $0x0;
	s5 =	sand.u32 $0x1, s0;
	s0 =	rddreg [dreg:$0x4]  }
0x6: {  	s14 =	stileid.u32;
	[smem:$0x7FF] =	sst s3  }
0x7: {  	s30 =	smul.u32 $0x7A10, s14;
	s12 =	sshll.u32 s14, $0x4;
	p0 =	sne.s32 s14, $0x0  }
0x8: {  	s7 =	sshll.u32 s5, $0x4;
	s4 =	ssub.s32 $0x2, s5;
	_ =	strace $0x80000047  }
0x9: {  	s29 =	smul.u32 $0x7A100, s5;
	s5 =	sadd.s32 s12, s1;
	s8 =	sor.u32 s14, s7  }
0xa: {  	s9 =	sshrl.u32 s4, $0x1;
	s6 =	sadd.s32 s6, s7;
	s14 =	simm.s32 $0x2  }
0xb: {  	s13 =	smul.u32 $0x7A10, s8;
	s10 =	ssub.s32 s4, s9;
	s4 =	sadd.s32 $0x1E840, s11  }
0xc: {  	s7 =	sadd.s32 s30, s29;
	s8 =	sadd.s32 s12, s2;
	s9 =	sadd.s32 $0x200, s6  }
0xd: {  	s12 =	simm.s32 $0x7A10;
	s31 =	sshrl.u32 s7, $0x3;
	s10 =	smax.u32 s10, $0x1  }
.Ltmp0:
0xe: {  	s15 =	sadd.s32 $0x10, s13;
	s16 =	sadd.s32 $0x20, s13;
	(pc) =	sbr.rel .LBB2_1-.Ltmp0, $4  }
0xf: {  	v0 =	vlaneseq.u32;
	s17 =	sadd.s32 $0x30, s13;
	s18 =	sadd.s32 $0x40, s13;
	s19 =	sadd.s32 $0x50, s13  }
0x10: {  	v8 =	vor.u32 $0x70, v0;
	v9 =	vor.u32 $0xE0, v0;
	s20 =	sadd.s32 $0x60, s13;
	s11 =	sadd.s32 s31, s11;
	v1 =	vor.u32 s13, v0;
	s13 =	simm.s32 $0x1  }
0x11: {  	v2 =	vor.u32 s15, v0;
	v3 =	vor.u32 s16, v0;
	v4 =	vor.u32 s17, v0;
	s15 =	simm.s32 $0x7A80;
	s16 =	simm.s32 $0x3;
	s17 =	simm.s32 $0x7B00  }
0x12: {  	v5 =	vor.u32 s18, v0;
	v6 =	vor.u32 s19, v0;
	v7 =	vor.u32 s20, v0;
	s18 =	simm.s32 $0x7BA0;
	s19 =	simm.s32 $0x7CA0;
	s20 =	simm.s32 $0x0  }
.LBB2_7:
0x13: {  	s20 =	sadd.s32 $0x1, s20  }
0x14: {  	p1 =	sne.s32 s20, s10  }
.Ltmp1:
0x15: {  	_ = 	snop;
	(pc) =	sbr.rel @!p1 .LBB2_8-.Ltmp1, $1  }
0x16: {  	_ =	sdelay $0x3  }
.LBB2_1:
0x17: {  	s21 =	simm.s32 $0x2A  }
0x18: {  	s24 =	sadd.s32 $0x0, s11;
	s22 =	simm.s32 $0x150;
	s23 =	simm.s32 $0x0  }
.LBB2_2:
0x19: {  	[tilespmem:s23], [sflag:$0x1] =	stream.linear.gather [hbm4b:s24+s3], $0x150, $0x38;
	[tilespmem:$0x7DA0] =	vst v63  }
0x1a: {  	s24 =	smov.u32 s21;
	s23 =	smov.u32 s22;
	p1 =	sne.s32 s21, $0xF18  }
.Ltmp2:
0x1b: {  	s21 =	sadd.s32 $0x2A, s21;
	(pc) =	sbr.rel @p1 .LBB2_2-.Ltmp2, $2  }
0x1c: {  	_ =	sdelay $0x2  }
0x1d: {  	s22 =	sadd.s32 $0x150, s22;
	s24 =	sadd.s32 s24, s11  }
0x1e: {  	[tilespmem:s23], [sflag:$0x1] =	stream.linear.gather [hbm4b:s24+s3], $0x150, $0x38;
	[tilespmem:$0x7DA0] =	vst v63  }
0x1f: {  	s30 =	simm.s32 $0x0  }
0x20: {  	[tilespmem:s12], [sflag:$0x2] =	stream.linear.gather [hbm4b:s4+s30], $0x40, $0x38;
	[tilespmem:$0x7DA0] =	vst v63  }
0x21: {  	_ =	swait.ge [sflag:s13], $0x150  }
0x22: {  	[sflag:s13] =	ssyncset.done $0x0  }
0x23: {  	s21 =	simm.s32 $0xA0;
	[sflag:s13] =	ssyncadd.s32 $0xFFFFFEB0  }
0x24: {  	v10 =	vld [tilespmem:s21+$0xFFFFFFC0]  }
0x25: {  	v22 =	vld [tilespmem:s21+$0xFFFFFFB0]  }
0x26: {  	v13 =	vld [tilespmem:s21+$0x30]  }
0x27: {  	v17 =	vimm.f32 $-Inf;
	s22 =	sadd.s32 $0x0, s7;
	v24 =	vld [tilespmem:s21+$0xFFFFFF70]  }
0x28: {  	v18 =	vor.u32 s22, v0;
	s31 =	sadd.s32 $0x20, s22;
	s25 =	sadd.s32 $0x40, s22;
	s26 =	sadd.s32 $0x50, s22;
	v19 =	vadd.s32 s22, v8;
	v12 =	vadd.s32 s22, v9;
	v29 =	vld [tilespmem:s21+$0xFFFFFF60]  }
0x29: {  	v15 =	vor.u32 s25, v0;
	v27 =	vadd.s32 s26, v8;
	v11 =	vadd.s32 s31, v9;
	v33 =	vld [tilespmem:s21+$0xFFFFFFA0]  }
0x2a: {  	s28 =	sadd.s32 $0x60, s22;
	s29 =	sadd.s32 $0x30, s22;
	v16 =	vadd.s32 s31, v8;
	v14 =	vadd.s32 s26, v9;
	v32 =	vor.u32 s31, v0;
	v31 =	vld [tilespmem:s21+$0xFFFFFF80]  }
0x2b: {  	s22 =	sadd.s32 $0x10, s22;
	v20 =	vor.u32 s28, v0;
	v39 =	vadd.s32 s29, v9;
	v28 =	vadd.s32 s28, v8;
	v37 =	vld [tilespmem:s21+$0xFFFFFF90]  }
0x2c: {  	v25 =	vadd.s32 s22, v9;
	v36 =	vadd.s32 s29, v8;
	v41 =	vor.u32 s22, v0;
	v21 =	vld [tilespmem:s21+$0xA0]  }
0x2d: {  	vm0 =	vgt.f32 v10, v17;
	vm1 =	vgt.f32 v22, v17;
	vm2 =	vgt.f32 v29, v17  }
0x2e: {  	v23 =	vld [tilespmem:s21+$0x20];
	vm4 =	vgt.f32 v24, v17;
	vm3 =	vgt.f32 v33, v17;
	v10 =	vsel vm0, v10, v17  }
0x2f: {  	v40 =	vld [tilespmem:s21+$0xFFFFFFD0];
	vm7 =	vgt.f32 v31, v17;
	v26 =	vsel vm0, v20, v7;
	vm0 =	vgt.f32 v13, v10  }
0x30: {  	s23 =	sand.u32 $0xFFF0, s30;
	v43 =	vld [tilespmem:s21+$0x10];
	vm5 =	vgt.f32 v37, v17;
	v22 =	vsel vm1, v22, v17;
	v10 =	vsel vm0, v13, v10  }
0x31: {  	v35 =	vld [tilespmem:s23+$0x80];
	v42 =	vsel vm2, v29, v17;
	v13 =	vsel vm0, v28, v26;
	vm0 =	vgt.f32 v21, v10  }
0x32: {  	v29 =	vadd.s32 s25, v9;
	v38 =	vsel vm4, v24, v17;
	v10 =	vsel vm0, v21, v10;
	v21 =	vld [tilespmem:s21+$0x0]  }
0x33: {  	v34 =	vld [tilespmem:s21+$0x40];
	v24 =	vor.u32 s29, v0;
	v37 =	vsel vm5, v37, v17;
	v26 =	vor.u32 s26, v0  }
0x34: {  	v20 =	vld [tilespmem:s21+$0x90];
	v33 =	vsel vm3, v33, v17;
	v30 =	vsel vm1, v26, v6;
	vm1 =	vgt.f32 v23, v22  }
0x35: {  	vm6 =	vgt.f32 v40, v42;
	v24 =	vsel vm5, v24, v4;
	v26 =	vsel vm1, v23, v22;
	v22 =	vld [tilespmem:s21+$0x70]  }
0x36: {  	vm9 =	vgt.f32 v35, v38;
	v28 =	vadd.s32 s25, v8;
	v30 =	vsel vm1, v27, v30;
	v27 =	vld [tilespmem:s21+$0x80]  }
0x37: {  	v40 =	vsel vm6, v40, v42;
	v42 =	vsel vm4, v41, v2;
	vm5 =	vgt.f32 v21, v37  }
0x38: {  	v41 =	vsel vm7, v32, v3;
	vm8 =	vgt.f32 v34, v40;
	v24 =	vsel vm5, v36, v24  }
0x39: {  	v23 =	vadd.s32 s28, v9;
	v21 =	vsel vm5, v21, v37;
	vm5 =	vgt.f32 v43, v33;
	v37 =	vld [tilespmem:s21+$0xFFFFFFF0]  }
0x3a: {  	v32 =	vmovc v1;
	vm1 =	vgt.f32 v20, v26;
	v36 =	vld [tilespmem:s23+$0x100];
	vm4 =	vgt.f32 v22, v21;
	v33 =	vsel vm5, v43, v33  }
0x3b: {  	s23 =	simm.s32 $0x150;
	v22 =	vsel vm4, v22, v21;
	v21 =	vsel vm4, v39, v24;
	v39 =	vld [tilespmem:s21+$0x50];
	vm4 =	vgt.f32 v27, v33;
	v24 =	vmovc v5  }
.LBB2_4:
0x3c: {  	_ =	swait.ge [sflag:s13], $0x150;
	p1 =	sne.s32 s23, $0x78C0;
	v15 =	vsel vm3, v15, v24;
	v26 =	vsel vm1, v20, v26;
	v30 =	vsel vm1, v14, v30;
	s21 =	sadd.s32 $0x150, s21  }
0x3d: {  	v14 =	vadd.s32 s22, v8;
	v17 =	vsel vm7, v31, v17;
	s24 =	smov.u32 s23;
	s23 =	sadd.s32 $0x150, s23;
	[sflag:s13] =	ssyncset.done $0x0;
	v15 =	vsel vm5, v28, v15  }
0x3e: {  	v14 =	vsel vm9, v14, v42;
	vm1 =	vgt.f32 v37, v17;
	[sflag:s13] =	ssyncadd.s32 $0xFFFFFEB0;
	v24 =	vsel vm4, v29, v15  }
0x3f: {  	v15 =	vsel vm2, v18, v32;
	v18 =	vsel vm9, v35, v38;
	v17 =	vsel vm1, v37, v17;
	v28 =	vld [tilespmem:s21+$0xA0]  }
0x40: {  	v16 =	vsel vm1, v16, v41;
	v15 =	vsel vm6, v19, v15;
	vm1 =	vgt.f32 v36, v17;
	v29 =	vld [tilespmem:s21+$0x30]  }
0x41: {  	vm2 =	vgt.f32 v39, v18;
	v17 =	vsel vm1, v36, v17;
	v41 =	vsel vm1, v11, v16;
	v20 =	vld [tilespmem:s21+$0xFFFFFFC0]  }
0x42: {  	v33 =	vsel vm4, v27, v33;
	v13 =	vsel vm0, v23, v13;
	v42 =	vsel vm2, v25, v14;
	v35 =	vld [tilespmem:s21+$0xFFFFFFB0]  }
0x43: {  	v34 =	vsel vm8, v34, v40;
	s26 =	sadd.s32 s24, s7;
	v32 =	vsel vm8, v12, v15;
	v36 =	vsel vm2, v39, v18;
	v27 =	vld [tilespmem:s21+$0xFFFFFF70]  }
0x44: {  	s28 =	sadd.s32 $0x20, s26;
	s29 =	sadd.s32 $0x40, s26;
	s30 =	sadd.s32 $0x50, s26;
	v19 =	vadd.s32 s26, v8;
	v18 =	vor.u32 s26, v0;
	v12 =	vadd.s32 s26, v9;
	v37 =	vld [tilespmem:s21+$0xFFFFFF60]  }
0x45: {  	s22 =	sadd.s32 $0x10, s26;
	s25 =	sadd.s32 $0x30, s26;
	v38 =	vadd.s32 s30, v8;
	v15 =	vor.u32 s29, v0;
	v11 =	vadd.s32 s28, v9;
	v39 =	vld [tilespmem:s21+$0xFFFFFFA0]  }
0x46: {  	s26 =	sadd.s32 $0x60, s26;
	v16 =	vadd.s32 s28, v8;
	v14 =	vadd.s32 s30, v9;
	vm0 =	vgt.f32 v20, v10;
	v43 =	vld [tilespmem:s21+$0x10]  }
0x47: {  	v44 =	vor.u32 s28, v0;
	v23 =	vor.u32 s26, v0;
	v10 =	vsel vm0, v20, v10;
	v40 =	vld [tilespmem:s21+$0x20]  }
0x48: {  	v45 =	vadd.s32 s25, v9;
	vm1 =	vgt.f32 v35, v26;
	v13 =	vsel vm0, v23, v13;
	v20 =	vld [tilespmem:s21+$0x90]  }
0x49: {  	v25 =	vadd.s32 s22, v9;
	v23 =	vadd.s32 s26, v8;
	vm0 =	vgt.f32 v29, v10;
	v31 =	vld [tilespmem:s21+$0xFFFFFF80]  }
0x4a: {  	v47 =	vadd.s32 s25, v8;
	v10 =	vsel vm0, v29, v10;
	v13 =	vsel vm0, v23, v13;
	v46 =	vld [tilespmem:s21+$0xFFFFFF90]  }
0x4b: {  	v26 =	vsel vm1, v35, v26;
	v23 =	vor.u32 s30, v0;
	vm0 =	vgt.f32 v28, v10;
	v48 =	vld [tilespmem:s21+$0xFFFFFFD0]  }
0x4c: {  	v49 =	vor.u32 s22, v0;
	v30 =	vsel vm1, v23, v30;
	v50 =	vld [tilespmem:s21+$0x0];
	vm1 =	vgt.f32 v40, v26  }
0x4d: {  	s24 =	sand.u32 $0xFFF0, s24;
	vm2 =	vgt.f32 v37, v34;
	v10 =	vsel vm0, v28, v10;
	v26 =	vsel vm1, v40, v26;
	v51 =	vld [tilespmem:s21+$0x70]  }
0x4e: {  	vm4 =	vgt.f32 v27, v36;
	v23 =	vadd.s32 s26, v9;
	v28 =	vadd.s32 s29, v8;
	v35 =	vld [tilespmem:s24+$0x80]  }
0x4f: {  	v29 =	vadd.s32 s29, v9;
	v40 =	vsel vm2, v37, v34;
	v30 =	vsel vm1, v38, v30;
	v34 =	vld [tilespmem:s21+$0x40]  }
0x50: {  	vm3 =	vgt.f32 v39, v33;
	v38 =	vsel vm4, v27, v36;
	vm1 =	vgt.f32 v20, v26;
	v27 =	vld [tilespmem:s21+$0x80]  }
0x51: {  	vm7 =	vgt.f32 v31, v17;
	vm5 =	vgt.f32 v46, v22;
	vm6 =	vgt.f32 v48, v40;
	v37 =	vld [tilespmem:s21+$0xFFFFFFF0]  }
0x52: {  	v52 =	vor.u32 s25, v0;
	v22 =	vsel vm5, v46, v22;
	v40 =	vsel vm6, v48, v40;
	v36 =	vld [tilespmem:s24+$0x100]  }
.Ltmp3:
0x53: {  	v33 =	vsel vm3, v39, v33;
	v21 =	vsel vm5, v52, v21;
	vm5 =	vgt.f32 v50, v22;
	v39 =	vld [tilespmem:s21+$0x50];
	(pc) =	sbr.rel @p1 .LBB2_4-.Ltmp3, $4  }
0x54: {  	v22 =	vsel vm5, v50, v22;
	v21 =	vsel vm5, v47, v21;
	vm5 =	vgt.f32 v43, v33  }
0x55: {  	v42 =	vsel vm4, v49, v42;
	v41 =	vsel vm7, v44, v41;
	vm4 =	vgt.f32 v51, v22  }
0x56: {  	v33 =	vsel vm5, v43, v33;
	v22 =	vsel vm4, v51, v22;
	v21 =	vsel vm4, v45, v21  }
0x57: {  	vm9 =	vgt.f32 v35, v38;
	vm8 =	vgt.f32 v34, v40;
	vm4 =	vgt.f32 v27, v33  }
0x58: {  	_ =	swait.ge [sflag:s14], $0x40  }
0x59: {  	[sflag:s14] =	ssyncset.done $0x0  }
0x5a: {  	[sflag:s14] =	ssyncadd.s32 $0xFFFFFFC0  }
0x5b: {  	v43 =	vld [tilespmem:$0x7A10];
	_ =	sdelay $0x1  }
0x5c: {  	v44 =	vld [tilespmem:$0x7A20]  }
0x5d: {  	v45 =	vadd.s32 s22, v8  }
0x5e: {  	v17 =	vsel vm7, v31, v17;
	v34 =	vsel vm8, v34, v40;
	v35 =	vsel vm9, v35, v38;
	v47 =	vld [tilespmem:$0x7A30]  }
0x5f: {  	v18 =	vsel vm2, v18, v32;
	v51 =	vor.u32 $0xF4200, v0;
	vm13 =	vgt.f32 v43, v34  }
0x60: {  	v53 =	vor.u32 $0xF4210, v0;
	v55 =	vor.u32 $0xF4220, v0;
	v49 =	vld [tilespmem:$0x7A40];
	v48 =	vsel vm13, v43, v34  }
0x61: {  	v56 =	vor.u32 $0xF4230, v0;
	v18 =	vsel vm6, v19, v18;
	vm15 =	vgt.f32 v44, v48  }
0x62: {  	v46 =	vsel vm9, v45, v42;
	v12 =	vsel vm8, v12, v18;
	v52 =	vsel vm15, v44, v48  }
0x63: {  	vm7 =	vgt.f32 v37, v17;
	v12 =	vsel vm13, v51, v12;
	vm12 =	vgt.f32 v47, v52  }
0x64: {  	vm14 =	vgt.f32 v39, v35;
	v12 =	vsel vm15, v53, v12;
	v54 =	vsel vm12, v47, v52  }
0x65: {  	v50 =	vsel vm14, v25, v46;
	v12 =	vsel vm12, v55, v12;
	vm13 =	vgt.f32 v49, v54  }
0x66: {  	v57 =	vsel vm14, v39, v35;
	v18 =	vsel vm13, v49, v54;
	v12 =	vsel vm13, v56, v12  }
0x67: {  	v17 =	vsel vm7, v37, v17;
	vm2 =	veq.f32 v57, v18;
	vm6 =	vlt.s32 v50, v12  }
0x68: {  	vm14 =	vgt.f32 v36, v17;
	vm15 =	vgt.f32 v57, v18;
	vm2 =	vmand vm2, vm6  }
0x69: {  	v16 =	vsel vm7, v16, v41;
	v17 =	vsel vm14, v36, v17;
	vm2 =	vmor vm15, vm2  }
0x6a: {  	v11 =	vsel vm14, v11, v16;
	v58 =	vsel vm2, v57, v18;
	v12 =	vsel vm2, v50, v12  }
0x6b: {  	vm12 =	veq.f32 v17, v58;
	vm13 =	vlt.s32 v11, v12  }
0x6c: {  	vm14 =	vgt.f32 v17, v58;
	vm2 =	vmand vm12, vm13  }
0x6d: {  	vm2 =	vmor vm14, vm2  }
0x6e: {  	v16 =	vsel vm2, v17, v58;
	v11 =	vsel vm2, v11, v12  }
0x6f: {  	vm15 =	veq.f32 v22, v16;
	vm8 =	vlt.s32 v21, v11  }
0x70: {  	v59 =	vsel vm3, v15, v24;
	vm9 =	vgt.f32 v22, v16;
	vm2 =	vmand vm15, vm8  }
0x71: {  	v60 =	vsel vm4, v27, v33;
	v12 =	vsel vm5, v28, v59;
	vm2 =	vmor vm9, vm2  }
0x72: {  	v12 =	vsel vm4, v29, v12;
	v16 =	vsel vm2, v22, v16;
	v11 =	vsel vm2, v21, v11  }
0x73: {  	vm10 =	veq.f32 v60, v16;
	vm11 =	vlt.s32 v12, v11  }
0x74: {  	vm4 =	vgt.f32 v60, v16;
	vm2 =	vmand vm10, vm11  }
0x75: {  	v61 =	vsel vm1, v20, v26;
	vm2 =	vmor vm4, vm2  }
0x76: {  	v14 =	vsel vm1, v14, v30;
	v15 =	vsel vm2, v60, v16;
	v11 =	vsel vm2, v12, v11  }
0x77: {  	vm12 =	veq.f32 v61, v15;
	vm2 =	vlt.s32 v14, v11  }
0x78: {  	vm13 =	vgt.f32 v61, v15;
	vm1 =	vmand vm12, vm2  }
0x79: {  	vm1 =	vmor vm13, vm1  }
0x7a: {  	v62 =	vsel vm0, v23, v13;
	v63 =	vsel vm1, v61, v15;
	v11 =	vsel vm1, v14, v11  }
0x7b: {  	vm14 =	veq.f32 v10, v63;
	vm1 =	vlt.s32 v62, v11  }
0x7c: {  	vm15 =	vgt.f32 v10, v63;
	vm0 =	vmand vm14, vm1  }
0x7d: {  	vm0 =	vmor vm15, vm0  }
0x7e: {  	v10 =	vsel vm0, v10, v63  }
0x7f: {  	v11 =	vsel vm0, v62, v11;
	[tilespmem:$0x7A80] =	vst v10  }
0x80: {  	[tilespmem:$0x7B00] =	vst v11  }
0x81: {  	[spmem:s5] =	stream.linear.scatter [tilespmem:s15], [sflag:$0x3], $0x10, $0x38;
	[tilespmem:$0x7DA0] =	vst v63  }
0x82: {  	_ =	swait.ge [sflag:s16], $0x10  }
0x83: {  	[sflag:s16] =	ssyncset.done $0x0  }
0x84: {  	[sflag:s16] =	ssyncadd.s32 $0xFFFFFFF0  }
0x85: {  	[spmem:s8] =	stream.linear.scatter [tilespmem:s17], [sflag:$0x3], $0x10, $0x38;
	[tilespmem:$0x7DA0] =	vst v63  }
.Ltmp4:
0x86: {  	_ =	swait.ge [sflag:s16], $0x10;
	(pc) =	sbr.rel @p0 .LBB2_7-.Ltmp4, $3  }
0x87: {  	[sflag:s16] =	ssyncset.done $0x0  }
0x88: {  	[sflag:s16] =	ssyncadd.s32 $0xFFFFFFF0  }
0x89: {  	[bflag:$0x0] =	sbarrier.arrive $0xFFFF;
	_ =	sdelay $0x1  }
0x8a: {  	[tilespmem:s18], [sflag:$0x3] =	stream.linear.gather [spmem:s1], $0x100, $0x38;
	[tilespmem:$0x7DA0] =	vst v63  }
0x8b: {  	_ =	swait.ge [sflag:s16], $0x100  }
0x8c: {  	[sflag:s16] =	ssyncset.done $0x0  }
0x8d: {  	[sflag:s16] =	ssyncadd.s32 $0xFFFFFF00  }
0x8e: {  	[tilespmem:s19], [sflag:$0x3] =	stream.linear.gather [spmem:s2], $0x100, $0x38;
	[tilespmem:$0x7DA0] =	vst v63  }
0x8f: {  	_ =	swait.ge [sflag:s16], $0x100  }
0x90: {  	[sflag:s16] =	ssyncset.done $0x0  }
0x91: {  	[sflag:s16] =	ssyncadd.s32 $0xFFFFFF00  }
0x92: {  	v10 =	vld [tilespmem:$0x7BA0]  }
0x93: {  	v11 =	vld [tilespmem:$0x7CA0]  }
0x94: {  	v12 =	vld [tilespmem:$0x7BB0]  }
0x95: {  	v13 =	vld [tilespmem:$0x7CB0];
	_ =	sdelay $0x2  }
0x96: {  	v14 =	vld [tilespmem:$0x7BC0]  }
0x97: {  	v15 =	vld [tilespmem:$0x7CC0]  }
0x98: {  	vm0 =	veq.f32 v12, v10;
	vm1 =	vlt.s32 v13, v11  }
0x99: {  	vm10 =	vgt.f32 v12, v10;
	vm0 =	vmand vm0, vm1  }
0x9a: {  	v16 =	vld [tilespmem:$0x7BD0];
	vm0 =	vmor vm10, vm0  }
0x9b: {  	v39 =	vld [tilespmem:$0x7CD0];
	v10 =	vsel vm0, v12, v10;
	v11 =	vsel vm0, v13, v11  }
0x9c: {  	vm11 =	veq.f32 v14, v10;
	vm12 =	vlt.s32 v15, v11  }
0x9d: {  	vm13 =	vgt.f32 v14, v10;
	vm0 =	vmand vm11, vm12  }
0x9e: {  	v40 =	vld [tilespmem:$0x7BE0];
	vm0 =	vmor vm13, vm0  }
0x9f: {  	v41 =	vld [tilespmem:$0x7CE0];
	v10 =	vsel vm0, v14, v10;
	v11 =	vsel vm0, v15, v11  }
0xa0: {  	vm14 =	veq.f32 v16, v10;
	vm15 =	vlt.s32 v39, v11  }
0xa1: {  	vm4 =	vgt.f32 v16, v10;
	vm0 =	vmand vm14, vm15  }
0xa2: {  	v42 =	vld [tilespmem:$0x7BF0];
	vm0 =	vmor vm4, vm0  }
0xa3: {  	v43 =	vld [tilespmem:$0x7CF0];
	v10 =	vsel vm0, v16, v10;
	v11 =	vsel vm0, v39, v11  }
0xa4: {  	vm5 =	veq.f32 v40, v10;
	vm6 =	vlt.s32 v41, v11  }
0xa5: {  	vm7 =	vgt.f32 v40, v10;
	vm0 =	vmand vm5, vm6  }
0xa6: {  	v44 =	vld [tilespmem:$0x7C00];
	vm0 =	vmor vm7, vm0  }
0xa7: {  	v45 =	vld [tilespmem:$0x7D00];
	v10 =	vsel vm0, v40, v10;
	v11 =	vsel vm0, v41, v11  }
0xa8: {  	vm8 =	veq.f32 v42, v10;
	vm9 =	vlt.s32 v43, v11  }
0xa9: {  	vm10 =	vgt.f32 v42, v10;
	vm0 =	vmand vm8, vm9  }
0xaa: {  	v46 =	vld [tilespmem:$0x7C10];
	vm0 =	vmor vm10, vm0  }
0xab: {  	v47 =	vld [tilespmem:$0x7D10];
	v10 =	vsel vm0, v42, v10;
	v11 =	vsel vm0, v43, v11  }
0xac: {  	vm11 =	veq.f32 v44, v10;
	vm12 =	vlt.s32 v45, v11  }
0xad: {  	vm13 =	vgt.f32 v44, v10;
	vm0 =	vmand vm11, vm12  }
0xae: {  	v48 =	vld [tilespmem:$0x7C20];
	vm0 =	vmor vm13, vm0  }
0xaf: {  	v49 =	vld [tilespmem:$0x7D20];
	v10 =	vsel vm0, v44, v10;
	v11 =	vsel vm0, v45, v11  }
0xb0: {  	vm14 =	veq.f32 v46, v10;
	vm15 =	vlt.s32 v47, v11  }
0xb1: {  	vm4 =	vgt.f32 v46, v10;
	vm0 =	vmand vm14, vm15  }
0xb2: {  	v50 =	vld [tilespmem:$0x7C30];
	vm0 =	vmor vm4, vm0  }
0xb3: {  	v51 =	vld [tilespmem:$0x7D30];
	v10 =	vsel vm0, v46, v10;
	v11 =	vsel vm0, v47, v11  }
0xb4: {  	vm5 =	veq.f32 v48, v10;
	vm6 =	vlt.s32 v49, v11  }
0xb5: {  	vm7 =	vgt.f32 v48, v10;
	vm0 =	vmand vm5, vm6  }
0xb6: {  	v52 =	vld [tilespmem:$0x7C40];
	vm0 =	vmor vm7, vm0  }
0xb7: {  	v53 =	vld [tilespmem:$0x7D40];
	v10 =	vsel vm0, v48, v10;
	v11 =	vsel vm0, v49, v11  }
0xb8: {  	vm8 =	veq.f32 v50, v10;
	vm9 =	vlt.s32 v51, v11  }
0xb9: {  	vm10 =	vgt.f32 v50, v10;
	vm0 =	vmand vm8, vm9  }
0xba: {  	v54 =	vld [tilespmem:$0x7C50];
	vm0 =	vmor vm10, vm0  }
0xbb: {  	v55 =	vld [tilespmem:$0x7D50];
	v10 =	vsel vm0, v50, v10;
	v11 =	vsel vm0, v51, v11  }
0xbc: {  	vm11 =	veq.f32 v52, v10;
	vm12 =	vlt.s32 v53, v11  }
0xbd: {  	vm13 =	vgt.f32 v52, v10;
	vm0 =	vmand vm11, vm12  }
0xbe: {  	v56 =	vld [tilespmem:$0x7C60];
	vm0 =	vmor vm13, vm0  }
0xbf: {  	v57 =	vld [tilespmem:$0x7D60];
	v10 =	vsel vm0, v52, v10;
	v11 =	vsel vm0, v53, v11  }
0xc0: {  	vm14 =	veq.f32 v54, v10;
	vm15 =	vlt.s32 v55, v11  }
0xc1: {  	vm4 =	vgt.f32 v54, v10;
	vm0 =	vmand vm14, vm15  }
0xc2: {  	v58 =	vld [tilespmem:$0x7C70];
	vm0 =	vmor vm4, vm0  }
0xc3: {  	v59 =	vld [tilespmem:$0x7D70];
	v10 =	vsel vm0, v54, v10;
	v11 =	vsel vm0, v55, v11  }
0xc4: {  	vm5 =	veq.f32 v56, v10;
	vm6 =	vlt.s32 v57, v11  }
0xc5: {  	vm7 =	vgt.f32 v56, v10;
	vm0 =	vmand vm5, vm6  }
0xc6: {  	v60 =	vld [tilespmem:$0x7C80];
	vm0 =	vmor vm7, vm0  }
0xc7: {  	v61 =	vld [tilespmem:$0x7D80];
	v10 =	vsel vm0, v56, v10;
	v11 =	vsel vm0, v57, v11  }
0xc8: {  	vm8 =	veq.f32 v58, v10;
	vm9 =	vlt.s32 v59, v11  }
0xc9: {  	vm10 =	vgt.f32 v58, v10;
	vm0 =	vmand vm8, vm9  }
0xca: {  	v62 =	vld [tilespmem:$0x7C90];
	vm0 =	vmor vm10, vm0  }
0xcb: {  	v63 =	vld [tilespmem:$0x7D90];
	v10 =	vsel vm0, v58, v10;
	v11 =	vsel vm0, v59, v11  }
0xcc: {  	vm11 =	veq.f32 v60, v10;
	vm12 =	vlt.s32 v61, v11  }
0xcd: {  	vm13 =	vgt.f32 v60, v10;
	vm0 =	vmand vm11, vm12  }
0xce: {  	vm0 =	vmor vm13, vm0  }
0xcf: {  	v10 =	vsel vm0, v60, v10;
	v11 =	vsel vm0, v61, v11  }
0xd0: {  	vm14 =	veq.f32 v62, v10;
	vm15 =	vlt.s32 v63, v11  }
0xd1: {  	vm2 =	vgt.f32 v62, v10;
	vm0 =	vmand vm14, vm15  }
0xd2: {  	vm0 =	vmor vm2, vm0  }
0xd3: {  	v10 =	vsel vm0, v62, v10  }
0xd4: {  	v11 =	vsel vm0, v63, v11;
	[tilespmem:$0x7A80] =	vst v10  }
0xd5: {  	[tilespmem:$0x7B00] =	vst v11  }
0xd6: {  	[hbm4b:s6+s3] =	stream.linear.scatter [tilespmem:s15], [sflag:$0x3], $0x80, $0x38;
	[tilespmem:$0x7DA0] =	vst v63  }
0xd7: {  	_ =	swait.ge [sflag:s16], $0x80  }
0xd8: {  	[sflag:s16] =	ssyncset.done $0x0  }
.Ltmp5:
0xd9: {  	[sflag:s16] =	ssyncadd.s32 $0xFFFFFF80;
	(pc) =	sbr.rel .LBB2_7-.Ltmp5, $4  }
0xda: {  	[hbm4b:s9+s3] =	stream.linear.scatter [tilespmem:s17], [sflag:$0x3], $0x80, $0x38;
	[tilespmem:$0x7DA0] =	vst v63  }
0xdb: {  	_ =	swait.ge [sflag:s16], $0x80  }
0xdc: {  	[sflag:s16] =	ssyncset.done $0x0  }
0xdd: {  	[sflag:s16] =	ssyncadd.s32 $0xFFFFFF80  }
.LBB2_8:
0xde: {  	_ =	sfence.sel $0x180000  }
0xdf: {  	[bflag:$0x0] =	sbarrier.arrive $0xFFFF  }
0xe0: {  	_ =	strace $0x90000047  }
0xe1: {  	s0 =	sadd.s32 @!p0 $0x100000, s0;
	[bflag:$0x2] =	sbarrier.arrive $0xFFFF  }
0xe2: {  	[sflag:s0] =	ssyncadd.tile.s32 @!p0 $0x1;
	_ =	shalt  }
.Lfunc_end2:
_tile_overlayer_lowered:
.L_overlay_start_2:
0xe3: {  	(tag) =	ssettag $0x2  }
0xe4: {  	s0 =	rddreg [dreg:$0x0];
	s2 =	stileid.u32  }
0xe5: {  	s1 =	rddreg [dreg:$0x1];
	p0 =	sne.s32 s2, $0x0  }
0xe6: {  	s3 =	rddreg [dreg:$0x2];
	[bflag:$0x3] =	sbarrier.arrive $0xFFFF;
	s2 =	simm.s32 @!p0 $0x1C03  }
0xe7: {  	[timem:s3], [sflag:s2] =	dma.local @!p0 [hbm:s0], s1  }
0xe8: {  	s0 =	simm.s32 @!p0 $0x3  }
0xe9: {  	_ =	swait.ge @!p0 [sflag:s0], s1  }
0xea: {  	s1 =	ssub.s32 @!p0 $0x0, s1;
	[sflag:s0] =	ssyncset.done @!p0 $0x0  }
0xeb: {  	[sflag:s0] =	ssyncadd.s32 @!p0 s1  }
0xec: {  	[bflag:$0x3] =	sbarrier.arrive $0xFFFF  }
0xed: {  	_ =	shalt  }

</sc_bundles>
